<compile_context>
chip_gen: v7x
topology: tpu7x:2x2x1
jax: 0.10.2.dev20260603
libtpu: 0.0.44.dev20260713+nightly
codegen_flags: <defaults>
</compile_context>

<pallas_src>
import functools

import jax
import jax.numpy as jnp
from jax import lax
from jax.experimental import pallas as pl
from jax.experimental.pallas import tpu as pltpu
from jax.experimental.pallas import tpu_sc as plsc

N_NODES = 10000
D_FEAT = 128
N_EDGES = 320000

NC = 2
NS = 16
NW = NC * NS
CHUNK = 48
NBUF = 5
N_ROUNDS = 42
E_PER_W = N_ROUNDS * NBUF * CHUNK
E_PAD = NW * E_PER_W
N_PAD = 11264
ROWS_PER_TILE = N_PAD // NS


def _sc_partial_sums(x, src, dst, zrows):
    mesh = plsc.VectorSubcoreMesh(core_axis_name="c", subcore_axis_name="s")

    @functools.partial(
        pl.kernel,
        mesh=mesh,
        out_type=jax.ShapeDtypeStruct((NC, N_PAD, D_FEAT), jnp.float32),
        scratch_types=[
            pltpu.VMEM((3, NBUF, CHUNK), jnp.int32),
            pltpu.VMEM((3, NBUF, CHUNK), jnp.int32),
            pltpu.VMEM((NBUF, CHUNK, D_FEAT), jnp.float32),
            pltpu.VMEM_SHARED((N_PAD, D_FEAT), jnp.float32),
            pltpu.SemaphoreType.DMA((NBUF,)),
            pltpu.SemaphoreType.DMA((NBUF,)),
            pltpu.SemaphoreType.DMA,
            pltpu.SemaphoreType.DMA,
        ],
    )
    def k(x_hbm, src_hbm, dst_hbm, z_hbm, out_hbm, sidx, didx, rows, acc,
          gsem, ssem, isem_s, isem_d):
        cid = lax.axis_index("c")
        sid = lax.axis_index("s")
        wid = sid * NC + cid
        rbase = sid * ROWS_PER_TILE
        pltpu.sync_copy(src_hbm.at[wid, 0], sidx.at[0])
        pltpu.sync_copy(dst_hbm.at[wid, 0], didx.at[0])
        for b in range(NBUF):
            pltpu.async_copy(x_hbm.at[sidx.at[0, b]], rows.at[b], gsem.at[b])
        pltpu.async_copy(src_hbm.at[wid, 1], sidx.at[1], isem_s)
        pltpu.async_copy(dst_hbm.at[wid, 1], didx.at[1], isem_d)
        pltpu.sync_copy(z_hbm, acc.at[pl.ds(rbase, ROWS_PER_TILE)])
        plsc.subcore_barrier()

        def round_body(t, carry):
            p0 = lax.rem(t, 3)
            p1 = lax.rem(t + 1, 3)
            p2 = lax.rem(t + 2, 3)
            rr = jnp.minimum(t + 2, N_ROUNDS - 1)
            pltpu.async_copy(src_hbm.at[wid, rr], sidx.at[p2], isem_s)
            pltpu.async_copy(dst_hbm.at[wid, rr], didx.at[p2], isem_d)
            for b in range(NBUF):
                pltpu.make_async_copy(
                    x_hbm.at[sidx.at[p0, b]], rows.at[b], gsem.at[b]).wait()
                pltpu.async_copy(
                    rows.at[b], acc.at[didx.at[p0, b]], ssem.at[b], add=True)
            pltpu.make_async_copy(
                src_hbm.at[wid, rr], sidx.at[p1], isem_s).wait()
            pltpu.make_async_copy(
                dst_hbm.at[wid, rr], didx.at[p1], isem_d).wait()
            for b in range(NBUF):
                pltpu.make_async_copy(
                    rows.at[b], acc.at[didx.at[p0, b]], ssem.at[b]).wait()
                pltpu.async_copy(x_hbm.at[sidx.at[p1, b]], rows.at[b],
                                 gsem.at[b])
            return carry

        lax.fori_loop(0, N_ROUNDS, round_body, 0)
        for b in range(NBUF):
            pltpu.make_async_copy(
                x_hbm.at[sidx.at[0, b]], rows.at[b], gsem.at[b]).wait()
        pltpu.make_async_copy(src_hbm.at[wid, 0], sidx.at[2], isem_s).wait()
        pltpu.make_async_copy(dst_hbm.at[wid, 0], didx.at[2], isem_d).wait()
        plsc.subcore_barrier()
        pltpu.sync_copy(acc.at[pl.ds(rbase, ROWS_PER_TILE)],
                        out_hbm.at[cid, pl.ds(rbase, ROWS_PER_TILE)])

    return k(x, src, dst, zrows)


def _combine(partial):
    def body(p_ref, o_ref):
        o_ref[...] = p_ref[0] + p_ref[1]

    bs = 1000
    return pl.pallas_call(
        body,
        grid=(N_NODES // bs,),
        in_specs=[pl.BlockSpec((NC, bs, D_FEAT), lambda i: (0, i, 0))],
        out_specs=pl.BlockSpec((bs, D_FEAT), lambda i: (i, 0)),
        out_shape=jax.ShapeDtypeStruct((N_NODES, D_FEAT), jnp.float32),
    )(partial)


def kernel(x, edge_index):
    ei = edge_index.astype(jnp.int32)
    npad = E_PAD - N_EDGES
    npad_w = npad // NW
    dsrc = (jnp.arange(NW * npad_w, dtype=jnp.int32) % N_NODES
            ).reshape(NW, npad_w)
    ddst = N_NODES + (jnp.arange(NW * npad_w, dtype=jnp.int32)
                      % (N_PAD - N_NODES)).reshape(NW, npad_w)
    src = jnp.concatenate([ei[0].reshape(NW, -1), dsrc], axis=1)
    dst = jnp.concatenate([ei[1].reshape(NW, -1), ddst], axis=1)
    src = src.reshape(NW, N_ROUNDS, NBUF, CHUNK)
    dst = dst.reshape(NW, N_ROUNDS, NBUF, CHUNK)
    zrows = jnp.zeros((ROWS_PER_TILE, D_FEAT), jnp.float32)
    partial = _sc_partial_sums(x, src, dst, zrows)
    return _combine(partial)

# --- scband reference (transcript-rebuilt; emitter-appended) ---
"""Pipeline reference for scband-one-hop-sum-node-label-aggregator-88235808129716 (READ-ONLY COPY).

The authoritative reference and input builder live on the scoring server;
editing this copy changes nothing except your own understanding.
"""

import jax, jax.numpy as jnp
import numpy as np

N_NODES = 10000
D_FEAT = 128
N_EDGES = 320000

def setup_inputs(seed: int = 0) -> dict:
    key = jax.random.key(seed)
    k1, k2 = jax.random.split(key)
    x = jax.random.normal(k1, (N_NODES, D_FEAT), dtype=jnp.float32)
    edge_index = jax.random.randint(k2, (2, N_EDGES), 0, N_NODES, dtype=jnp.int64)
    return {"x": x, "edge_index": edge_index}

def reference(x, edge_index):
    # Original torch module builds adj (N x N) with adj[src, dst] = 1 from
    # edge_index and computes adj.t() @ x, i.e. for each node i:
    #   out[i] = sum over edges (src, dst=i) of x[src]
    # This is a scatter-add (segment sum) keyed by the dst node index.
    src = edge_index[0]
    dst = edge_index[1]
    gathered = jnp.take(x, src, axis=0)                      # [E, d] gather
    x_neighbors = jnp.zeros((x.shape[0], x.shape[1]), dtype=x.dtype).at[dst].add(gathered)  # scatter-add
    return x_neighbors

if __name__ == "__main__":
    import jax
    _d = setup_inputs()
    print(jax.jit(kernel)(*tuple(_d.values())))

</pallas_src>

<mosaic_0001>
#map = affine_map<(d0, d1) -> (0, 0)>
#map1 = affine_map<(d0, d1) -> (0, 0, 0, 0)>
#map2 = affine_map<(d0, d1) -> (0, 0, 0)>
module attributes {stable_mosaic.version = 14 : i64} {
  func.func @k(%arg0: i32, %arg1: i32, %arg2: memref<10000x128xf32, #tpu.memory_space<hbm>>, %arg3: memref<32x42x5x48xi32, #tpu.memory_space<hbm>>, %arg4: memref<32x42x5x48xi32, #tpu.memory_space<hbm>>, %arg5: memref<704x128xf32, #tpu.memory_space<hbm>>, %arg6: memref<2x11264x128xf32, #tpu.memory_space<hbm>>, %arg7: memref<3x5x48xi32, #tpu.memory_space<vmem>>, %arg8: memref<3x5x48xi32, #tpu.memory_space<vmem>>, %arg9: memref<5x48x128xf32, #tpu.memory_space<vmem>>, %arg10: memref<11264x128xf32, #tpu.memory_space<vmem_shared>>, %arg11: memref<5x!tpu.dma_semaphore, #tpu.memory_space<semaphore_mem>>, %arg12: memref<5x!tpu.dma_semaphore, #tpu.memory_space<semaphore_mem>>, %arg13: memref<!tpu.dma_semaphore, #tpu.memory_space<semaphore_mem>>, %arg14: memref<!tpu.dma_semaphore, #tpu.memory_space<semaphore_mem>>) attributes {dimension_semantics = [#tpu.dimension_semantics<core_parallel>, #tpu.dimension_semantics<subcore_parallel>], iteration_bounds = array<i64: 2, 16>, scalar_prefetch = 0 : i64, scratch_operands = 8 : i64, tpu.core_type = #tpu.core_type<sc_vector_subcore>, window_params = [{transform_indices = #map}, {transform_indices = #map1}, {transform_indices = #map1}, {transform_indices = #map}, {transform_indices = #map2}]} {
    %mul3A = arith.constant 2 : i32
    %mul3A_0 = arith.muli %arg1, %mul3A : i32
    %add3A = arith.addi %mul3A_0, %arg0 : i32
    %mul3A_1 = arith.constant 704 : i32
    %mul3A_2 = arith.muli %arg1, %mul3A_1 : i32
    %run_scoped3A = arith.constant 0 : i32
    %run_scoped3A_3 = arith.constant 0 : i32
    "tpu.region"() ({
      %run_scoped3A_242 = tpu.sem_alloc : memref<!tpu.dma_semaphore, #tpu.memory_space<semaphore_mem>>
      %dma_start3A_243 = arith.constant 0 : i32
      %dma_start3A_244 = arith.constant 0 : i32
      %dma_start3A_245 = tpu.memref_slice %arg7[%run_scoped3A_3, %dma_start3A_243, %dma_start3A_244] : memref<3x5x48xi32, #tpu.memory_space<vmem>> -> memref<1x5x48xi32, #tpu.memory_space<vmem>>
      %dma_start3A_246 = tpu.memref_squeeze %dma_start3A_245 : memref<1x5x48xi32, #tpu.memory_space<vmem>> -> memref<5x48xi32, #tpu.memory_space<vmem>>
      %dma_start3A_247 = arith.constant 0 : i32
      %dma_start3A_248 = arith.constant 0 : i32
      %dma_start3A_249 = tpu.memref_slice %arg3[%add3A, %run_scoped3A, %dma_start3A_247, %dma_start3A_248] : memref<32x42x5x48xi32, #tpu.memory_space<hbm>> -> memref<1x1x5x48xi32, #tpu.memory_space<hbm>>
      %dma_start3A_250 = tpu.memref_squeeze %dma_start3A_249 : memref<1x1x5x48xi32, #tpu.memory_space<hbm>> -> memref<5x48xi32, #tpu.memory_space<hbm>>
      %dma_start3A_251 = arith.constant 0 : i32
      %dma_start3A_252 = arith.constant 0 : i32
      %dma_start3A_253 = tpu.memref_slice %arg7[%run_scoped3A_3, %dma_start3A_251, %dma_start3A_252] : memref<3x5x48xi32, #tpu.memory_space<vmem>> -> memref<1x5x48xi32, #tpu.memory_space<vmem>>
      %dma_start3A_254 = tpu.memref_squeeze %dma_start3A_253 : memref<1x5x48xi32, #tpu.memory_space<vmem>> -> memref<5x48xi32, #tpu.memory_space<vmem>>
      %dma_start3A_255 = arith.constant 0 : i32
      %dma_start3A_256 = arith.constant 0 : i32
      %dma_start3A_257 = tpu.memref_slice %arg3[%add3A, %run_scoped3A, %dma_start3A_255, %dma_start3A_256] : memref<32x42x5x48xi32, #tpu.memory_space<hbm>> -> memref<1x1x5x48xi32, #tpu.memory_space<hbm>>
      %dma_start3A_258 = tpu.memref_squeeze %dma_start3A_257 : memref<1x1x5x48xi32, #tpu.memory_space<hbm>> -> memref<5x48xi32, #tpu.memory_space<hbm>>
      tpu.enqueue_dma source(%dma_start3A_258 : memref<5x48xi32, #tpu.memory_space<hbm>>) target(%dma_start3A_254 : memref<5x48xi32, #tpu.memory_space<vmem>>) target_semaphore(%run_scoped3A_242 : memref<!tpu.dma_semaphore, #tpu.memory_space<semaphore_mem>>)
      %dma_wait3A_259 = arith.constant 0 : i32
      %dma_wait3A_260 = arith.constant 0 : i32
      %dma_wait3A_261 = tpu.memref_slice %arg7[%run_scoped3A_3, %dma_wait3A_259, %dma_wait3A_260] : memref<3x5x48xi32, #tpu.memory_space<vmem>> -> memref<1x5x48xi32, #tpu.memory_space<vmem>>
      %dma_wait3A_262 = tpu.memref_squeeze %dma_wait3A_261 : memref<1x5x48xi32, #tpu.memory_space<vmem>> -> memref<5x48xi32, #tpu.memory_space<vmem>>
      %dma_wait3A_263 = arith.constant 0 : i32
      %dma_wait3A_264 = arith.constant 0 : i32
      %dma_wait3A_265 = tpu.memref_slice %arg3[%add3A, %run_scoped3A, %dma_wait3A_263, %dma_wait3A_264] : memref<32x42x5x48xi32, #tpu.memory_space<hbm>> -> memref<1x1x5x48xi32, #tpu.memory_space<hbm>>
      %dma_wait3A_266 = tpu.memref_squeeze %dma_wait3A_265 : memref<1x1x5x48xi32, #tpu.memory_space<hbm>> -> memref<5x48xi32, #tpu.memory_space<hbm>>
      %dma_wait3A_267 = arith.constant 0 : i32
      %dma_wait3A_268 = arith.constant 0 : i32
      %dma_wait3A_269 = tpu.memref_slice %arg7[%run_scoped3A_3, %dma_wait3A_267, %dma_wait3A_268] : memref<3x5x48xi32, #tpu.memory_space<vmem>> -> memref<1x5x48xi32, #tpu.memory_space<vmem>>
      %dma_wait3A_270 = tpu.memref_squeeze %dma_wait3A_269 : memref<1x5x48xi32, #tpu.memory_space<vmem>> -> memref<5x48xi32, #tpu.memory_space<vmem>>
      %dma_wait3A_271 = arith.constant 0 : i32
      %dma_wait3A_272 = arith.constant 0 : i32
      %dma_wait3A_273 = tpu.memref_slice %arg3[%add3A, %run_scoped3A, %dma_wait3A_271, %dma_wait3A_272] : memref<32x42x5x48xi32, #tpu.memory_space<hbm>> -> memref<1x1x5x48xi32, #tpu.memory_space<hbm>>
      %dma_wait3A_274 = tpu.memref_squeeze %dma_wait3A_273 : memref<1x1x5x48xi32, #tpu.memory_space<hbm>> -> memref<5x48xi32, #tpu.memory_space<hbm>>
      tpu.wait_dma2 semaphore(%run_scoped3A_242 : memref<!tpu.dma_semaphore, #tpu.memory_space<semaphore_mem>>) src(%dma_wait3A_274 : memref<5x48xi32, #tpu.memory_space<hbm>>) dst(%dma_wait3A_270 : memref<5x48xi32, #tpu.memory_space<vmem>>)
      tpu.yield
    }) : () -> ()
    %run_scoped3A_4 = arith.constant 0 : i32
    %run_scoped3A_5 = arith.constant 0 : i32
    "tpu.region"() ({
      %run_scoped3A_242 = tpu.sem_alloc : memref<!tpu.dma_semaphore, #tpu.memory_space<semaphore_mem>>
      %dma_start3A_243 = arith.constant 0 : i32
      %dma_start3A_244 = arith.constant 0 : i32
      %dma_start3A_245 = tpu.memref_slice %arg8[%run_scoped3A_5, %dma_start3A_243, %dma_start3A_244] : memref<3x5x48xi32, #tpu.memory_space<vmem>> -> memref<1x5x48xi32, #tpu.memory_space<vmem>>
      %dma_start3A_246 = tpu.memref_squeeze %dma_start3A_245 : memref<1x5x48xi32, #tpu.memory_space<vmem>> -> memref<5x48xi32, #tpu.memory_space<vmem>>
      %dma_start3A_247 = arith.constant 0 : i32
      %dma_start3A_248 = arith.constant 0 : i32
      %dma_start3A_249 = tpu.memref_slice %arg4[%add3A, %run_scoped3A_4, %dma_start3A_247, %dma_start3A_248] : memref<32x42x5x48xi32, #tpu.memory_space<hbm>> -> memref<1x1x5x48xi32, #tpu.memory_space<hbm>>
      %dma_start3A_250 = tpu.memref_squeeze %dma_start3A_249 : memref<1x1x5x48xi32, #tpu.memory_space<hbm>> -> memref<5x48xi32, #tpu.memory_space<hbm>>
      %dma_start3A_251 = arith.constant 0 : i32
      %dma_start3A_252 = arith.constant 0 : i32
      %dma_start3A_253 = tpu.memref_slice %arg8[%run_scoped3A_5, %dma_start3A_251, %dma_start3A_252] : memref<3x5x48xi32, #tpu.memory_space<vmem>> -> memref<1x5x48xi32, #tpu.memory_space<vmem>>
      %dma_start3A_254 = tpu.memref_squeeze %dma_start3A_253 : memref<1x5x48xi32, #tpu.memory_space<vmem>> -> memref<5x48xi32, #tpu.memory_space<vmem>>
      %dma_start3A_255 = arith.constant 0 : i32
      %dma_start3A_256 = arith.constant 0 : i32
      %dma_start3A_257 = tpu.memref_slice %arg4[%add3A, %run_scoped3A_4, %dma_start3A_255, %dma_start3A_256] : memref<32x42x5x48xi32, #tpu.memory_space<hbm>> -> memref<1x1x5x48xi32, #tpu.memory_space<hbm>>
      %dma_start3A_258 = tpu.memref_squeeze %dma_start3A_257 : memref<1x1x5x48xi32, #tpu.memory_space<hbm>> -> memref<5x48xi32, #tpu.memory_space<hbm>>
      tpu.enqueue_dma source(%dma_start3A_258 : memref<5x48xi32, #tpu.memory_space<hbm>>) target(%dma_start3A_254 : memref<5x48xi32, #tpu.memory_space<vmem>>) target_semaphore(%run_scoped3A_242 : memref<!tpu.dma_semaphore, #tpu.memory_space<semaphore_mem>>)
      %dma_wait3A_259 = arith.constant 0 : i32
      %dma_wait3A_260 = arith.constant 0 : i32
      %dma_wait3A_261 = tpu.memref_slice %arg8[%run_scoped3A_5, %dma_wait3A_259, %dma_wait3A_260] : memref<3x5x48xi32, #tpu.memory_space<vmem>> -> memref<1x5x48xi32, #tpu.memory_space<vmem>>
      %dma_wait3A_262 = tpu.memref_squeeze %dma_wait3A_261 : memref<1x5x48xi32, #tpu.memory_space<vmem>> -> memref<5x48xi32, #tpu.memory_space<vmem>>
      %dma_wait3A_263 = arith.constant 0 : i32
      %dma_wait3A_264 = arith.constant 0 : i32
      %dma_wait3A_265 = tpu.memref_slice %arg4[%add3A, %run_scoped3A_4, %dma_wait3A_263, %dma_wait3A_264] : memref<32x42x5x48xi32, #tpu.memory_space<hbm>> -> memref<1x1x5x48xi32, #tpu.memory_space<hbm>>
      %dma_wait3A_266 = tpu.memref_squeeze %dma_wait3A_265 : memref<1x1x5x48xi32, #tpu.memory_space<hbm>> -> memref<5x48xi32, #tpu.memory_space<hbm>>
      %dma_wait3A_267 = arith.constant 0 : i32
      %dma_wait3A_268 = arith.constant 0 : i32
      %dma_wait3A_269 = tpu.memref_slice %arg8[%run_scoped3A_5, %dma_wait3A_267, %dma_wait3A_268] : memref<3x5x48xi32, #tpu.memory_space<vmem>> -> memref<1x5x48xi32, #tpu.memory_space<vmem>>
      %dma_wait3A_270 = tpu.memref_squeeze %dma_wait3A_269 : memref<1x5x48xi32, #tpu.memory_space<vmem>> -> memref<5x48xi32, #tpu.memory_space<vmem>>
      %dma_wait3A_271 = arith.constant 0 : i32
      %dma_wait3A_272 = arith.constant 0 : i32
      %dma_wait3A_273 = tpu.memref_slice %arg4[%add3A, %run_scoped3A_4, %dma_wait3A_271, %dma_wait3A_272] : memref<32x42x5x48xi32, #tpu.memory_space<hbm>> -> memref<1x1x5x48xi32, #tpu.memory_space<hbm>>
      %dma_wait3A_274 = tpu.memref_squeeze %dma_wait3A_273 : memref<1x1x5x48xi32, #tpu.memory_space<hbm>> -> memref<5x48xi32, #tpu.memory_space<hbm>>
      tpu.wait_dma2 semaphore(%run_scoped3A_242 : memref<!tpu.dma_semaphore, #tpu.memory_space<semaphore_mem>>) src(%dma_wait3A_274 : memref<5x48xi32, #tpu.memory_space<hbm>>) dst(%dma_wait3A_270 : memref<5x48xi32, #tpu.memory_space<vmem>>)
      tpu.yield
    }) : () -> ()
    %dma_start3A = arith.constant 0 : i32
    %dma_start3A_6 = arith.constant 0 : i32
    %dma_start3A_7 = arith.constant 0 : i32
    %dma_start3A_8 = arith.constant 0 : i32
    %dma_start3A_9 = arith.constant 0 : i32
    %dma_start3A_10 = arith.constant 0 : i32
    %dma_start3A_11 = tpu.memref_slice %arg9[%dma_start3A_7, %dma_start3A_9, %dma_start3A_10] : memref<5x48x128xf32, #tpu.memory_space<vmem>> -> memref<1x48x128xf32, #tpu.memory_space<vmem>>
    %dma_start3A_12 = tpu.memref_squeeze %dma_start3A_11 : memref<1x48x128xf32, #tpu.memory_space<vmem>> -> memref<48x128xf32, #tpu.memory_space<vmem>>
    %dma_start3A_13 = arith.constant 0 : i32
    %dma_start3A_14 = tpu.memref_slice %arg7[%dma_start3A, %dma_start3A_6, %dma_start3A_13] : memref<3x5x48xi32, #tpu.memory_space<vmem>> -> memref<1x1x48xi32, #tpu.memory_space<vmem>>
    %dma_start3A_15 = tpu.memref_squeeze %dma_start3A_14 : memref<1x1x48xi32, #tpu.memory_space<vmem>> -> memref<48xi32, #tpu.memory_space<vmem>>
    %dma_start3A_16 = arith.constant 0 : i32
    %dma_start3A_17 = arith.constant 0 : i32
    %dma_start3A_18 = tpu.memref_slice %arg2[%dma_start3A_16, %dma_start3A_17] : memref<10000x128xf32, #tpu.memory_space<hbm>> -> memref<10000x128xf32, #tpu.memory_space<hbm>>
    %dma_start3A_19 = tpu.memref_slice %arg11[%dma_start3A_8] : memref<5x!tpu.dma_semaphore, #tpu.memory_space<semaphore_mem>> -> memref<1x!tpu.dma_semaphore, #tpu.memory_space<semaphore_mem>>
    %dma_start3A_20 = tpu.memref_squeeze %dma_start3A_19 : memref<1x!tpu.dma_semaphore, #tpu.memory_space<semaphore_mem>> -> memref<!tpu.dma_semaphore, #tpu.memory_space<semaphore_mem>>
    tpu.enqueue_indirect_dma source(%dma_start3A_18 : memref<10000x128xf32, #tpu.memory_space<hbm>>) target(%dma_start3A_12 : memref<48x128xf32, #tpu.memory_space<vmem>>) offsets(%dma_start3A_15 : memref<48xi32, #tpu.memory_space<vmem>>) semaphore(%dma_start3A_20 : memref<!tpu.dma_semaphore, #tpu.memory_space<semaphore_mem>>)
    %dma_start3A_21 = arith.constant 0 : i32
    %dma_start3A_22 = arith.constant 1 : i32
    %dma_start3A_23 = arith.constant 1 : i32
    %dma_start3A_24 = arith.constant 1 : i32
    %dma_start3A_25 = arith.constant 0 : i32
    %dma_start3A_26 = arith.constant 0 : i32
    %dma_start3A_27 = tpu.memref_slice %arg9[%dma_start3A_23, %dma_start3A_25, %dma_start3A_26] : memref<5x48x128xf32, #tpu.memory_space<vmem>> -> memref<1x48x128xf32, #tpu.memory_space<vmem>>
    %dma_start3A_28 = tpu.memref_squeeze %dma_start3A_27 : memref<1x48x128xf32, #tpu.memory_space<vmem>> -> memref<48x128xf32, #tpu.memory_space<vmem>>
    %dma_start3A_29 = arith.constant 0 : i32
    %dma_start3A_30 = tpu.memref_slice %arg7[%dma_start3A_21, %dma_start3A_22, %dma_start3A_29] : memref<3x5x48xi32, #tpu.memory_space<vmem>> -> memref<1x1x48xi32, #tpu.memory_space<vmem>>
    %dma_start3A_31 = tpu.memref_squeeze %dma_start3A_30 : memref<1x1x48xi32, #tpu.memory_space<vmem>> -> memref<48xi32, #tpu.memory_space<vmem>>
    %dma_start3A_32 = arith.constant 0 : i32
    %dma_start3A_33 = arith.constant 0 : i32
    %dma_start3A_34 = tpu.memref_slice %arg2[%dma_start3A_32, %dma_start3A_33] : memref<10000x128xf32, #tpu.memory_space<hbm>> -> memref<10000x128xf32, #tpu.memory_space<hbm>>
    %dma_start3A_35 = tpu.memref_slice %arg11[%dma_start3A_24] : memref<5x!tpu.dma_semaphore, #tpu.memory_space<semaphore_mem>> -> memref<1x!tpu.dma_semaphore, #tpu.memory_space<semaphore_mem>>
    %dma_start3A_36 = tpu.memref_squeeze %dma_start3A_35 : memref<1x!tpu.dma_semaphore, #tpu.memory_space<semaphore_mem>> -> memref<!tpu.dma_semaphore, #tpu.memory_space<semaphore_mem>>
    tpu.enqueue_indirect_dma source(%dma_start3A_34 : memref<10000x128xf32, #tpu.memory_space<hbm>>) target(%dma_start3A_28 : memref<48x128xf32, #tpu.memory_space<vmem>>) offsets(%dma_start3A_31 : memref<48xi32, #tpu.memory_space<vmem>>) semaphore(%dma_start3A_36 : memref<!tpu.dma_semaphore, #tpu.memory_space<semaphore_mem>>)
    %dma_start3A_37 = arith.constant 0 : i32
    %dma_start3A_38 = arith.constant 2 : i32
    %dma_start3A_39 = arith.constant 2 : i32
    %dma_start3A_40 = arith.constant 2 : i32
    %dma_start3A_41 = arith.constant 0 : i32
    %dma_start3A_42 = arith.constant 0 : i32
    %dma_start3A_43 = tpu.memref_slice %arg9[%dma_start3A_39, %dma_start3A_41, %dma_start3A_42] : memref<5x48x128xf32, #tpu.memory_space<vmem>> -> memref<1x48x128xf32, #tpu.memory_space<vmem>>
    %dma_start3A_44 = tpu.memref_squeeze %dma_start3A_43 : memref<1x48x128xf32, #tpu.memory_space<vmem>> -> memref<48x128xf32, #tpu.memory_space<vmem>>
    %dma_start3A_45 = arith.constant 0 : i32
    %dma_start3A_46 = tpu.memref_slice %arg7[%dma_start3A_37, %dma_start3A_38, %dma_start3A_45] : memref<3x5x48xi32, #tpu.memory_space<vmem>> -> memref<1x1x48xi32, #tpu.memory_space<vmem>>
    %dma_start3A_47 = tpu.memref_squeeze %dma_start3A_46 : memref<1x1x48xi32, #tpu.memory_space<vmem>> -> memref<48xi32, #tpu.memory_space<vmem>>
    %dma_start3A_48 = arith.constant 0 : i32
    %dma_start3A_49 = arith.constant 0 : i32
    %dma_start3A_50 = tpu.memref_slice %arg2[%dma_start3A_48, %dma_start3A_49] : memref<10000x128xf32, #tpu.memory_space<hbm>> -> memref<10000x128xf32, #tpu.memory_space<hbm>>
    %dma_start3A_51 = tpu.memref_slice %arg11[%dma_start3A_40] : memref<5x!tpu.dma_semaphore, #tpu.memory_space<semaphore_mem>> -> memref<1x!tpu.dma_semaphore, #tpu.memory_space<semaphore_mem>>
    %dma_start3A_52 = tpu.memref_squeeze %dma_start3A_51 : memref<1x!tpu.dma_semaphore, #tpu.memory_space<semaphore_mem>> -> memref<!tpu.dma_semaphore, #tpu.memory_space<semaphore_mem>>
    tpu.enqueue_indirect_dma source(%dma_start3A_50 : memref<10000x128xf32, #tpu.memory_space<hbm>>) target(%dma_start3A_44 : memref<48x128xf32, #tpu.memory_space<vmem>>) offsets(%dma_start3A_47 : memref<48xi32, #tpu.memory_space<vmem>>) semaphore(%dma_start3A_52 : memref<!tpu.dma_semaphore, #tpu.memory_space<semaphore_mem>>)
    %dma_start3A_53 = arith.constant 0 : i32
    %dma_start3A_54 = arith.constant 3 : i32
    %dma_start3A_55 = arith.constant 3 : i32
    %dma_start3A_56 = arith.constant 3 : i32
    %dma_start3A_57 = arith.constant 0 : i32
    %dma_start3A_58 = arith.constant 0 : i32
    %dma_start3A_59 = tpu.memref_slice %arg9[%dma_start3A_55, %dma_start3A_57, %dma_start3A_58] : memref<5x48x128xf32, #tpu.memory_space<vmem>> -> memref<1x48x128xf32, #tpu.memory_space<vmem>>
    %dma_start3A_60 = tpu.memref_squeeze %dma_start3A_59 : memref<1x48x128xf32, #tpu.memory_space<vmem>> -> memref<48x128xf32, #tpu.memory_space<vmem>>
    %dma_start3A_61 = arith.constant 0 : i32
    %dma_start3A_62 = tpu.memref_slice %arg7[%dma_start3A_53, %dma_start3A_54, %dma_start3A_61] : memref<3x5x48xi32, #tpu.memory_space<vmem>> -> memref<1x1x48xi32, #tpu.memory_space<vmem>>
    %dma_start3A_63 = tpu.memref_squeeze %dma_start3A_62 : memref<1x1x48xi32, #tpu.memory_space<vmem>> -> memref<48xi32, #tpu.memory_space<vmem>>
    %dma_start3A_64 = arith.constant 0 : i32
    %dma_start3A_65 = arith.constant 0 : i32
    %dma_start3A_66 = tpu.memref_slice %arg2[%dma_start3A_64, %dma_start3A_65] : memref<10000x128xf32, #tpu.memory_space<hbm>> -> memref<10000x128xf32, #tpu.memory_space<hbm>>
    %dma_start3A_67 = tpu.memref_slice %arg11[%dma_start3A_56] : memref<5x!tpu.dma_semaphore, #tpu.memory_space<semaphore_mem>> -> memref<1x!tpu.dma_semaphore, #tpu.memory_space<semaphore_mem>>
    %dma_start3A_68 = tpu.memref_squeeze %dma_start3A_67 : memref<1x!tpu.dma_semaphore, #tpu.memory_space<semaphore_mem>> -> memref<!tpu.dma_semaphore, #tpu.memory_space<semaphore_mem>>
    tpu.enqueue_indirect_dma source(%dma_start3A_66 : memref<10000x128xf32, #tpu.memory_space<hbm>>) target(%dma_start3A_60 : memref<48x128xf32, #tpu.memory_space<vmem>>) offsets(%dma_start3A_63 : memref<48xi32, #tpu.memory_space<vmem>>) semaphore(%dma_start3A_68 : memref<!tpu.dma_semaphore, #tpu.memory_space<semaphore_mem>>)
    %dma_start3A_69 = arith.constant 0 : i32
    %dma_start3A_70 = arith.constant 4 : i32
    %dma_start3A_71 = arith.constant 4 : i32
    %dma_start3A_72 = arith.constant 4 : i32
    %dma_start3A_73 = arith.constant 0 : i32
    %dma_start3A_74 = arith.constant 0 : i32
    %dma_start3A_75 = tpu.memref_slice %arg9[%dma_start3A_71, %dma_start3A_73, %dma_start3A_74] : memref<5x48x128xf32, #tpu.memory_space<vmem>> -> memref<1x48x128xf32, #tpu.memory_space<vmem>>
    %dma_start3A_76 = tpu.memref_squeeze %dma_start3A_75 : memref<1x48x128xf32, #tpu.memory_space<vmem>> -> memref<48x128xf32, #tpu.memory_space<vmem>>
    %dma_start3A_77 = arith.constant 0 : i32
    %dma_start3A_78 = tpu.memref_slice %arg7[%dma_start3A_69, %dma_start3A_70, %dma_start3A_77] : memref<3x5x48xi32, #tpu.memory_space<vmem>> -> memref<1x1x48xi32, #tpu.memory_space<vmem>>
    %dma_start3A_79 = tpu.memref_squeeze %dma_start3A_78 : memref<1x1x48xi32, #tpu.memory_space<vmem>> -> memref<48xi32, #tpu.memory_space<vmem>>
    %dma_start3A_80 = arith.constant 0 : i32
    %dma_start3A_81 = arith.constant 0 : i32
    %dma_start3A_82 = tpu.memref_slice %arg2[%dma_start3A_80, %dma_start3A_81] : memref<10000x128xf32, #tpu.memory_space<hbm>> -> memref<10000x128xf32, #tpu.memory_space<hbm>>
    %dma_start3A_83 = tpu.memref_slice %arg11[%dma_start3A_72] : memref<5x!tpu.dma_semaphore, #tpu.memory_space<semaphore_mem>> -> memref<1x!tpu.dma_semaphore, #tpu.memory_space<semaphore_mem>>
    %dma_start3A_84 = tpu.memref_squeeze %dma_start3A_83 : memref<1x!tpu.dma_semaphore, #tpu.memory_space<semaphore_mem>> -> memref<!tpu.dma_semaphore, #tpu.memory_space<semaphore_mem>>
    tpu.enqueue_indirect_dma source(%dma_start3A_82 : memref<10000x128xf32, #tpu.memory_space<hbm>>) target(%dma_start3A_76 : memref<48x128xf32, #tpu.memory_space<vmem>>) offsets(%dma_start3A_79 : memref<48xi32, #tpu.memory_space<vmem>>) semaphore(%dma_start3A_84 : memref<!tpu.dma_semaphore, #tpu.memory_space<semaphore_mem>>)
    %dma_start3A_85 = arith.constant 1 : i32
    %dma_start3A_86 = arith.constant 1 : i32
    %dma_start3A_87 = arith.constant 0 : i32
    %dma_start3A_88 = arith.constant 0 : i32
    %dma_start3A_89 = tpu.memref_slice %arg7[%dma_start3A_86, %dma_start3A_87, %dma_start3A_88] : memref<3x5x48xi32, #tpu.memory_space<vmem>> -> memref<1x5x48xi32, #tpu.memory_space<vmem>>
    %dma_start3A_90 = tpu.memref_squeeze %dma_start3A_89 : memref<1x5x48xi32, #tpu.memory_space<vmem>> -> memref<5x48xi32, #tpu.memory_space<vmem>>
    %dma_start3A_91 = arith.constant 0 : i32
    %dma_start3A_92 = arith.constant 0 : i32
    %dma_start3A_93 = tpu.memref_slice %arg3[%add3A, %dma_start3A_85, %dma_start3A_91, %dma_start3A_92] : memref<32x42x5x48xi32, #tpu.memory_space<hbm>> -> memref<1x1x5x48xi32, #tpu.memory_space<hbm>>
    %dma_start3A_94 = tpu.memref_squeeze %dma_start3A_93 : memref<1x1x5x48xi32, #tpu.memory_space<hbm>> -> memref<5x48xi32, #tpu.memory_space<hbm>>
    %dma_start3A_95 = arith.constant 0 : i32
    %dma_start3A_96 = arith.constant 0 : i32
    %dma_start3A_97 = tpu.memref_slice %arg7[%dma_start3A_86, %dma_start3A_95, %dma_start3A_96] : memref<3x5x48xi32, #tpu.memory_space<vmem>> -> memref<1x5x48xi32, #tpu.memory_space<vmem>>
    %dma_start3A_98 = tpu.memref_squeeze %dma_start3A_97 : memref<1x5x48xi32, #tpu.memory_space<vmem>> -> memref<5x48xi32, #tpu.memory_space<vmem>>
    %dma_start3A_99 = arith.constant 0 : i32
    %dma_start3A_100 = arith.constant 0 : i32
    %dma_start3A_101 = tpu.memref_slice %arg3[%add3A, %dma_start3A_85, %dma_start3A_99, %dma_start3A_100] : memref<32x42x5x48xi32, #tpu.memory_space<hbm>> -> memref<1x1x5x48xi32, #tpu.memory_space<hbm>>
    %dma_start3A_102 = tpu.memref_squeeze %dma_start3A_101 : memref<1x1x5x48xi32, #tpu.memory_space<hbm>> -> memref<5x48xi32, #tpu.memory_space<hbm>>
    tpu.enqueue_dma source(%dma_start3A_102 : memref<5x48xi32, #tpu.memory_space<hbm>>) target(%dma_start3A_98 : memref<5x48xi32, #tpu.memory_space<vmem>>) target_semaphore(%arg13 : memref<!tpu.dma_semaphore, #tpu.memory_space<semaphore_mem>>)
    %dma_start3A_103 = arith.constant 1 : i32
    %dma_start3A_104 = arith.constant 1 : i32
    %dma_start3A_105 = arith.constant 0 : i32
    %dma_start3A_106 = arith.constant 0 : i32
    %dma_start3A_107 = tpu.memref_slice %arg8[%dma_start3A_104, %dma_start3A_105, %dma_start3A_106] : memref<3x5x48xi32, #tpu.memory_space<vmem>> -> memref<1x5x48xi32, #tpu.memory_space<vmem>>
    %dma_start3A_108 = tpu.memref_squeeze %dma_start3A_107 : memref<1x5x48xi32, #tpu.memory_space<vmem>> -> memref<5x48xi32, #tpu.memory_space<vmem>>
    %dma_start3A_109 = arith.constant 0 : i32
    %dma_start3A_110 = arith.constant 0 : i32
    %dma_start3A_111 = tpu.memref_slice %arg4[%add3A, %dma_start3A_103, %dma_start3A_109, %dma_start3A_110] : memref<32x42x5x48xi32, #tpu.memory_space<hbm>> -> memref<1x1x5x48xi32, #tpu.memory_space<hbm>>
    %dma_start3A_112 = tpu.memref_squeeze %dma_start3A_111 : memref<1x1x5x48xi32, #tpu.memory_space<hbm>> -> memref<5x48xi32, #tpu.memory_space<hbm>>
    %dma_start3A_113 = arith.constant 0 : i32
    %dma_start3A_114 = arith.constant 0 : i32
    %dma_start3A_115 = tpu.memref_slice %arg8[%dma_start3A_104, %dma_start3A_113, %dma_start3A_114] : memref<3x5x48xi32, #tpu.memory_space<vmem>> -> memref<1x5x48xi32, #tpu.memory_space<vmem>>
    %dma_start3A_116 = tpu.memref_squeeze %dma_start3A_115 : memref<1x5x48xi32, #tpu.memory_space<vmem>> -> memref<5x48xi32, #tpu.memory_space<vmem>>
    %dma_start3A_117 = arith.constant 0 : i32
    %dma_start3A_118 = arith.constant 0 : i32
    %dma_start3A_119 = tpu.memref_slice %arg4[%add3A, %dma_start3A_103, %dma_start3A_117, %dma_start3A_118] : memref<32x42x5x48xi32, #tpu.memory_space<hbm>> -> memref<1x1x5x48xi32, #tpu.memory_space<hbm>>
    %dma_start3A_120 = tpu.memref_squeeze %dma_start3A_119 : memref<1x1x5x48xi32, #tpu.memory_space<hbm>> -> memref<5x48xi32, #tpu.memory_space<hbm>>
    tpu.enqueue_dma source(%dma_start3A_120 : memref<5x48xi32, #tpu.memory_space<hbm>>) target(%dma_start3A_116 : memref<5x48xi32, #tpu.memory_space<vmem>>) target_semaphore(%arg14 : memref<!tpu.dma_semaphore, #tpu.memory_space<semaphore_mem>>)
    "tpu.region"() ({
      %run_scoped3A_242 = tpu.sem_alloc : memref<!tpu.dma_semaphore, #tpu.memory_space<semaphore_mem>>
      %dma_start3A_243 = arith.constant 0 : i32
      %dma_start3A_244 = tpu.memref_slice %arg10[%mul3A_2, %dma_start3A_243] : memref<11264x128xf32, #tpu.memory_space<vmem_shared>> -> memref<704x128xf32, #tpu.memory_space<vmem_shared>>
      tpu.enqueue_dma source(%arg5 : memref<704x128xf32, #tpu.memory_space<hbm>>) target(%dma_start3A_244 : memref<704x128xf32, #tpu.memory_space<vmem_shared>>) target_semaphore(%run_scoped3A_242 : memref<!tpu.dma_semaphore, #tpu.memory_space<semaphore_mem>>)
      %dma_wait3A_245 = arith.constant 0 : i32
      %dma_wait3A_246 = tpu.memref_slice %arg10[%mul3A_2, %dma_wait3A_245] : memref<11264x128xf32, #tpu.memory_space<vmem_shared>> -> memref<704x128xf32, #tpu.memory_space<vmem_shared>>
      tpu.wait_dma2 semaphore(%run_scoped3A_242 : memref<!tpu.dma_semaphore, #tpu.memory_space<semaphore_mem>>) src(%arg5 : memref<704x128xf32, #tpu.memory_space<hbm>>) dst(%dma_wait3A_246 : memref<704x128xf32, #tpu.memory_space<vmem_shared>>)
      tpu.yield
    }) : () -> ()
    %barrier3A = arith.constant 0 : index
    tpu.barrier barrier_id(%barrier3A)
    %scan3A = arith.constant 0 : i32
    %scan3A_121 = arith.constant 0 : i32
    %scan3A_122 = arith.constant 42 : i32
    %scan3A_123 = arith.addi %scan3A_121, %scan3A_122 : i32
    %scan3A_124 = arith.constant 1 : i32
    scf.for %scan3A_242 = %scan3A_121 to %scan3A_123 step %scan3A_124  : i32 {
      %rem3A = arith.constant 3 : i32
      %rem3A_243 = arith.remsi %scan3A_242, %rem3A : i32
      %add3A_244 = arith.constant 1 : i32
      %add3A_245 = arith.addi %scan3A_242, %add3A_244 : i32
      %rem3A_246 = arith.constant 3 : i32
      %rem3A_247 = arith.remsi %add3A_245, %rem3A_246 : i32
      %add3A_248 = arith.constant 2 : i32
      %add3A_249 = arith.addi %scan3A_242, %add3A_248 : i32
      %rem3A_250 = arith.constant 3 : i32
      %rem3A_251 = arith.remsi %add3A_249, %rem3A_250 : i32
      %add3A_252 = arith.constant 2 : i32
      %add3A_253 = arith.addi %scan3A_242, %add3A_252 : i32
      %min3A = arith.constant 41 : i32
      %min3A_254 = arith.minsi %add3A_253, %min3A : i32
      %dma_start3A_255 = arith.constant 0 : i32
      %dma_start3A_256 = arith.constant 0 : i32
      %dma_start3A_257 = tpu.memref_slice %arg7[%rem3A_251, %dma_start3A_255, %dma_start3A_256] : memref<3x5x48xi32, #tpu.memory_space<vmem>> -> memref<1x5x48xi32, #tpu.memory_space<vmem>>
      %dma_start3A_258 = tpu.memref_squeeze %dma_start3A_257 : memref<1x5x48xi32, #tpu.memory_space<vmem>> -> memref<5x48xi32, #tpu.memory_space<vmem>>
      %dma_start3A_259 = arith.constant 0 : i32
      %dma_start3A_260 = arith.constant 0 : i32
      %dma_start3A_261 = tpu.memref_slice %arg3[%add3A, %min3A_254, %dma_start3A_259, %dma_start3A_260] : memref<32x42x5x48xi32, #tpu.memory_space<hbm>> -> memref<1x1x5x48xi32, #tpu.memory_space<hbm>>
      %dma_start3A_262 = tpu.memref_squeeze %dma_start3A_261 : memref<1x1x5x48xi32, #tpu.memory_space<hbm>> -> memref<5x48xi32, #tpu.memory_space<hbm>>
      %dma_start3A_263 = arith.constant 0 : i32
      %dma_start3A_264 = arith.constant 0 : i32
      %dma_start3A_265 = tpu.memref_slice %arg7[%rem3A_251, %dma_start3A_263, %dma_start3A_264] : memref<3x5x48xi32, #tpu.memory_space<vmem>> -> memref<1x5x48xi32, #tpu.memory_space<vmem>>
      %dma_start3A_266 = tpu.memref_squeeze %dma_start3A_265 : memref<1x5x48xi32, #tpu.memory_space<vmem>> -> memref<5x48xi32, #tpu.memory_space<vmem>>
      %dma_start3A_267 = arith.constant 0 : i32
      %dma_start3A_268 = arith.constant 0 : i32
      %dma_start3A_269 = tpu.memref_slice %arg3[%add3A, %min3A_254, %dma_start3A_267, %dma_start3A_268] : memref<32x42x5x48xi32, #tpu.memory_space<hbm>> -> memref<1x1x5x48xi32, #tpu.memory_space<hbm>>
      %dma_start3A_270 = tpu.memref_squeeze %dma_start3A_269 : memref<1x1x5x48xi32, #tpu.memory_space<hbm>> -> memref<5x48xi32, #tpu.memory_space<hbm>>
      tpu.enqueue_dma source(%dma_start3A_270 : memref<5x48xi32, #tpu.memory_space<hbm>>) target(%dma_start3A_266 : memref<5x48xi32, #tpu.memory_space<vmem>>) target_semaphore(%arg13 : memref<!tpu.dma_semaphore, #tpu.memory_space<semaphore_mem>>)
      %dma_start3A_271 = arith.constant 0 : i32
      %dma_start3A_272 = arith.constant 0 : i32
      %dma_start3A_273 = tpu.memref_slice %arg8[%rem3A_251, %dma_start3A_271, %dma_start3A_272] : memref<3x5x48xi32, #tpu.memory_space<vmem>> -> memref<1x5x48xi32, #tpu.memory_space<vmem>>
      %dma_start3A_274 = tpu.memref_squeeze %dma_start3A_273 : memref<1x5x48xi32, #tpu.memory_space<vmem>> -> memref<5x48xi32, #tpu.memory_space<vmem>>
      %dma_start3A_275 = arith.constant 0 : i32
      %dma_start3A_276 = arith.constant 0 : i32
      %dma_start3A_277 = tpu.memref_slice %arg4[%add3A, %min3A_254, %dma_start3A_275, %dma_start3A_276] : memref<32x42x5x48xi32, #tpu.memory_space<hbm>> -> memref<1x1x5x48xi32, #tpu.memory_space<hbm>>
      %dma_start3A_278 = tpu.memref_squeeze %dma_start3A_277 : memref<1x1x5x48xi32, #tpu.memory_space<hbm>> -> memref<5x48xi32, #tpu.memory_space<hbm>>
      %dma_start3A_279 = arith.constant 0 : i32
      %dma_start3A_280 = arith.constant 0 : i32
      %dma_start3A_281 = tpu.memref_slice %arg8[%rem3A_251, %dma_start3A_279, %dma_start3A_280] : memref<3x5x48xi32, #tpu.memory_space<vmem>> -> memref<1x5x48xi32, #tpu.memory_space<vmem>>
      %dma_start3A_282 = tpu.memref_squeeze %dma_start3A_281 : memref<1x5x48xi32, #tpu.memory_space<vmem>> -> memref<5x48xi32, #tpu.memory_space<vmem>>
      %dma_start3A_283 = arith.constant 0 : i32
      %dma_start3A_284 = arith.constant 0 : i32
      %dma_start3A_285 = tpu.memref_slice %arg4[%add3A, %min3A_254, %dma_start3A_283, %dma_start3A_284] : memref<32x42x5x48xi32, #tpu.memory_space<hbm>> -> memref<1x1x5x48xi32, #tpu.memory_space<hbm>>
      %dma_start3A_286 = tpu.memref_squeeze %dma_start3A_285 : memref<1x1x5x48xi32, #tpu.memory_space<hbm>> -> memref<5x48xi32, #tpu.memory_space<hbm>>
      tpu.enqueue_dma source(%dma_start3A_286 : memref<5x48xi32, #tpu.memory_space<hbm>>) target(%dma_start3A_282 : memref<5x48xi32, #tpu.memory_space<vmem>>) target_semaphore(%arg14 : memref<!tpu.dma_semaphore, #tpu.memory_space<semaphore_mem>>)
      %dma_wait3A_287 = arith.constant 0 : i32
      %dma_wait3A_288 = arith.constant 0 : i32
      %dma_wait3A_289 = arith.constant 0 : i32
      %dma_wait3A_290 = arith.constant 0 : i32
      %dma_wait3A_291 = arith.constant 0 : i32
      %dma_wait3A_292 = tpu.memref_slice %arg9[%dma_wait3A_288, %dma_wait3A_290, %dma_wait3A_291] : memref<5x48x128xf32, #tpu.memory_space<vmem>> -> memref<1x48x128xf32, #tpu.memory_space<vmem>>
      %dma_wait3A_293 = tpu.memref_squeeze %dma_wait3A_292 : memref<1x48x128xf32, #tpu.memory_space<vmem>> -> memref<48x128xf32, #tpu.memory_space<vmem>>
      %dma_wait3A_294 = arith.constant 0 : i32
      %dma_wait3A_295 = tpu.memref_slice %arg7[%rem3A_243, %dma_wait3A_287, %dma_wait3A_294] : memref<3x5x48xi32, #tpu.memory_space<vmem>> -> memref<1x1x48xi32, #tpu.memory_space<vmem>>
      %dma_wait3A_296 = tpu.memref_squeeze %dma_wait3A_295 : memref<1x1x48xi32, #tpu.memory_space<vmem>> -> memref<48xi32, #tpu.memory_space<vmem>>
      %dma_wait3A_297 = arith.constant 0 : i32
      %dma_wait3A_298 = arith.constant 0 : i32
      %dma_wait3A_299 = tpu.memref_slice %arg2[%dma_wait3A_297, %dma_wait3A_298] : memref<10000x128xf32, #tpu.memory_space<hbm>> -> memref<10000x128xf32, #tpu.memory_space<hbm>>
      %dma_wait3A_300 = tpu.memref_slice %arg11[%dma_wait3A_289] : memref<5x!tpu.dma_semaphore, #tpu.memory_space<semaphore_mem>> -> memref<1x!tpu.dma_semaphore, #tpu.memory_space<semaphore_mem>>
      %dma_wait3A_301 = tpu.memref_squeeze %dma_wait3A_300 : memref<1x!tpu.dma_semaphore, #tpu.memory_space<semaphore_mem>> -> memref<!tpu.dma_semaphore, #tpu.memory_space<semaphore_mem>>
      tpu.wait_indirect_dma semaphore(%dma_wait3A_301 : memref<!tpu.dma_semaphore, #tpu.memory_space<semaphore_mem>>) src(%dma_wait3A_299 : memref<10000x128xf32, #tpu.memory_space<hbm>>) dst(%dma_wait3A_293 : memref<48x128xf32, #tpu.memory_space<vmem>>)
      %dma_start3A_302 = arith.constant 0 : i32
      %dma_start3A_303 = arith.constant 0 : i32
      %dma_start3A_304 = arith.constant 0 : i32
      %dma_start3A_305 = arith.constant 0 : i32
      %dma_start3A_306 = arith.constant 0 : i32
      %dma_start3A_307 = tpu.memref_slice %arg9[%dma_start3A_302, %dma_start3A_305, %dma_start3A_306] : memref<5x48x128xf32, #tpu.memory_space<vmem>> -> memref<1x48x128xf32, #tpu.memory_space<vmem>>
      %dma_start3A_308 = tpu.memref_squeeze %dma_start3A_307 : memref<1x48x128xf32, #tpu.memory_space<vmem>> -> memref<48x128xf32, #tpu.memory_space<vmem>>
      %dma_start3A_309 = arith.constant 0 : i32
      %dma_start3A_310 = tpu.memref_slice %arg8[%rem3A_243, %dma_start3A_303, %dma_start3A_309] : memref<3x5x48xi32, #tpu.memory_space<vmem>> -> memref<1x1x48xi32, #tpu.memory_space<vmem>>
      %dma_start3A_311 = tpu.memref_squeeze %dma_start3A_310 : memref<1x1x48xi32, #tpu.memory_space<vmem>> -> memref<48xi32, #tpu.memory_space<vmem>>
      %dma_start3A_312 = arith.constant 0 : i32
      %dma_start3A_313 = arith.constant 0 : i32
      %dma_start3A_314 = tpu.memref_slice %arg10[%dma_start3A_312, %dma_start3A_313] : memref<11264x128xf32, #tpu.memory_space<vmem_shared>> -> memref<11264x128xf32, #tpu.memory_space<vmem_shared>>
      %dma_start3A_315 = tpu.memref_slice %arg12[%dma_start3A_304] : memref<5x!tpu.dma_semaphore, #tpu.memory_space<semaphore_mem>> -> memref<1x!tpu.dma_semaphore, #tpu.memory_space<semaphore_mem>>
      %dma_start3A_316 = tpu.memref_squeeze %dma_start3A_315 : memref<1x!tpu.dma_semaphore, #tpu.memory_space<semaphore_mem>> -> memref<!tpu.dma_semaphore, #tpu.memory_space<semaphore_mem>>
      tpu.enqueue_indirect_dma source(%dma_start3A_308 : memref<48x128xf32, #tpu.memory_space<vmem>>) target(%dma_start3A_314 : memref<11264x128xf32, #tpu.memory_space<vmem_shared>>) offsets(%dma_start3A_311 : memref<48xi32, #tpu.memory_space<vmem>>) semaphore(%dma_start3A_316 : memref<!tpu.dma_semaphore, #tpu.memory_space<semaphore_mem>>) {add = true}
      %dma_wait3A_317 = arith.constant 1 : i32
      %dma_wait3A_318 = arith.constant 1 : i32
      %dma_wait3A_319 = arith.constant 1 : i32
      %dma_wait3A_320 = arith.constant 0 : i32
      %dma_wait3A_321 = arith.constant 0 : i32
      %dma_wait3A_322 = tpu.memref_slice %arg9[%dma_wait3A_318, %dma_wait3A_320, %dma_wait3A_321] : memref<5x48x128xf32, #tpu.memory_space<vmem>> -> memref<1x48x128xf32, #tpu.memory_space<vmem>>
      %dma_wait3A_323 = tpu.memref_squeeze %dma_wait3A_322 : memref<1x48x128xf32, #tpu.memory_space<vmem>> -> memref<48x128xf32, #tpu.memory_space<vmem>>
      %dma_wait3A_324 = arith.constant 0 : i32
      %dma_wait3A_325 = tpu.memref_slice %arg7[%rem3A_243, %dma_wait3A_317, %dma_wait3A_324] : memref<3x5x48xi32, #tpu.memory_space<vmem>> -> memref<1x1x48xi32, #tpu.memory_space<vmem>>
      %dma_wait3A_326 = tpu.memref_squeeze %dma_wait3A_325 : memref<1x1x48xi32, #tpu.memory_space<vmem>> -> memref<48xi32, #tpu.memory_space<vmem>>
      %dma_wait3A_327 = arith.constant 0 : i32
      %dma_wait3A_328 = arith.constant 0 : i32
      %dma_wait3A_329 = tpu.memref_slice %arg2[%dma_wait3A_327, %dma_wait3A_328] : memref<10000x128xf32, #tpu.memory_space<hbm>> -> memref<10000x128xf32, #tpu.memory_space<hbm>>
      %dma_wait3A_330 = tpu.memref_slice %arg11[%dma_wait3A_319] : memref<5x!tpu.dma_semaphore, #tpu.memory_space<semaphore_mem>> -> memref<1x!tpu.dma_semaphore, #tpu.memory_space<semaphore_mem>>
      %dma_wait3A_331 = tpu.memref_squeeze %dma_wait3A_330 : memref<1x!tpu.dma_semaphore, #tpu.memory_space<semaphore_mem>> -> memref<!tpu.dma_semaphore, #tpu.memory_space<semaphore_mem>>
      tpu.wait_indirect_dma semaphore(%dma_wait3A_331 : memref<!tpu.dma_semaphore, #tpu.memory_space<semaphore_mem>>) src(%dma_wait3A_329 : memref<10000x128xf32, #tpu.memory_space<hbm>>) dst(%dma_wait3A_323 : memref<48x128xf32, #tpu.memory_space<vmem>>)
      %dma_start3A_332 = arith.constant 1 : i32
      %dma_start3A_333 = arith.constant 1 : i32
      %dma_start3A_334 = arith.constant 1 : i32
      %dma_start3A_335 = arith.constant 0 : i32
      %dma_start3A_336 = arith.constant 0 : i32
      %dma_start3A_337 = tpu.memref_slice %arg9[%dma_start3A_332, %dma_start3A_335, %dma_start3A_336] : memref<5x48x128xf32, #tpu.memory_space<vmem>> -> memref<1x48x128xf32, #tpu.memory_space<vmem>>
      %dma_start3A_338 = tpu.memref_squeeze %dma_start3A_337 : memref<1x48x128xf32, #tpu.memory_space<vmem>> -> memref<48x128xf32, #tpu.memory_space<vmem>>
      %dma_start3A_339 = arith.constant 0 : i32
      %dma_start3A_340 = tpu.memref_slice %arg8[%rem3A_243, %dma_start3A_333, %dma_start3A_339] : memref<3x5x48xi32, #tpu.memory_space<vmem>> -> memref<1x1x48xi32, #tpu.memory_space<vmem>>
      %dma_start3A_341 = tpu.memref_squeeze %dma_start3A_340 : memref<1x1x48xi32, #tpu.memory_space<vmem>> -> memref<48xi32, #tpu.memory_space<vmem>>
      %dma_start3A_342 = arith.constant 0 : i32
      %dma_start3A_343 = arith.constant 0 : i32
      %dma_start3A_344 = tpu.memref_slice %arg10[%dma_start3A_342, %dma_start3A_343] : memref<11264x128xf32, #tpu.memory_space<vmem_shared>> -> memref<11264x128xf32, #tpu.memory_space<vmem_shared>>
      %dma_start3A_345 = tpu.memref_slice %arg12[%dma_start3A_334] : memref<5x!tpu.dma_semaphore, #tpu.memory_space<semaphore_mem>> -> memref<1x!tpu.dma_semaphore, #tpu.memory_space<semaphore_mem>>
      %dma_start3A_346 = tpu.memref_squeeze %dma_start3A_345 : memref<1x!tpu.dma_semaphore, #tpu.memory_space<semaphore_mem>> -> memref<!tpu.dma_semaphore, #tpu.memory_space<semaphore_mem>>
      tpu.enqueue_indirect_dma source(%dma_start3A_338 : memref<48x128xf32, #tpu.memory_space<vmem>>) target(%dma_start3A_344 : memref<11264x128xf32, #tpu.memory_space<vmem_shared>>) offsets(%dma_start3A_341 : memref<48xi32, #tpu.memory_space<vmem>>) semaphore(%dma_start3A_346 : memref<!tpu.dma_semaphore, #tpu.memory_space<semaphore_mem>>) {add = true}
      %dma_wait3A_347 = arith.constant 2 : i32
      %dma_wait3A_348 = arith.constant 2 : i32
      %dma_wait3A_349 = arith.constant 2 : i32
      %dma_wait3A_350 = arith.constant 0 : i32
      %dma_wait3A_351 = arith.constant 0 : i32
      %dma_wait3A_352 = tpu.memref_slice %arg9[%dma_wait3A_348, %dma_wait3A_350, %dma_wait3A_351] : memref<5x48x128xf32, #tpu.memory_space<vmem>> -> memref<1x48x128xf32, #tpu.memory_space<vmem>>
      %dma_wait3A_353 = tpu.memref_squeeze %dma_wait3A_352 : memref<1x48x128xf32, #tpu.memory_space<vmem>> -> memref<48x128xf32, #tpu.memory_space<vmem>>
      %dma_wait3A_354 = arith.constant 0 : i32
      %dma_wait3A_355 = tpu.memref_slice %arg7[%rem3A_243, %dma_wait3A_347, %dma_wait3A_354] : memref<3x5x48xi32, #tpu.memory_space<vmem>> -> memref<1x1x48xi32, #tpu.memory_space<vmem>>
      %dma_wait3A_356 = tpu.memref_squeeze %dma_wait3A_355 : memref<1x1x48xi32, #tpu.memory_space<vmem>> -> memref<48xi32, #tpu.memory_space<vmem>>
      %dma_wait3A_357 = arith.constant 0 : i32
      %dma_wait3A_358 = arith.constant 0 : i32
      %dma_wait3A_359 = tpu.memref_slice %arg2[%dma_wait3A_357, %dma_wait3A_358] : memref<10000x128xf32, #tpu.memory_space<hbm>> -> memref<10000x128xf32, #tpu.memory_space<hbm>>
      %dma_wait3A_360 = tpu.memref_slice %arg11[%dma_wait3A_349] : memref<5x!tpu.dma_semaphore, #tpu.memory_space<semaphore_mem>> -> memref<1x!tpu.dma_semaphore, #tpu.memory_space<semaphore_mem>>
      %dma_wait3A_361 = tpu.memref_squeeze %dma_wait3A_360 : memref<1x!tpu.dma_semaphore, #tpu.memory_space<semaphore_mem>> -> memref<!tpu.dma_semaphore, #tpu.memory_space<semaphore_mem>>
      tpu.wait_indirect_dma semaphore(%dma_wait3A_361 : memref<!tpu.dma_semaphore, #tpu.memory_space<semaphore_mem>>) src(%dma_wait3A_359 : memref<10000x128xf32, #tpu.memory_space<hbm>>) dst(%dma_wait3A_353 : memref<48x128xf32, #tpu.memory_space<vmem>>)
      %dma_start3A_362 = arith.constant 2 : i32
      %dma_start3A_363 = arith.constant 2 : i32
      %dma_start3A_364 = arith.constant 2 : i32
      %dma_start3A_365 = arith.constant 0 : i32
      %dma_start3A_366 = arith.constant 0 : i32
      %dma_start3A_367 = tpu.memref_slice %arg9[%dma_start3A_362, %dma_start3A_365, %dma_start3A_366] : memref<5x48x128xf32, #tpu.memory_space<vmem>> -> memref<1x48x128xf32, #tpu.memory_space<vmem>>
      %dma_start3A_368 = tpu.memref_squeeze %dma_start3A_367 : memref<1x48x128xf32, #tpu.memory_space<vmem>> -> memref<48x128xf32, #tpu.memory_space<vmem>>
      %dma_start3A_369 = arith.constant 0 : i32
      %dma_start3A_370 = tpu.memref_slice %arg8[%rem3A_243, %dma_start3A_363, %dma_start3A_369] : memref<3x5x48xi32, #tpu.memory_space<vmem>> -> memref<1x1x48xi32, #tpu.memory_space<vmem>>
      %dma_start3A_371 = tpu.memref_squeeze %dma_start3A_370 : memref<1x1x48xi32, #tpu.memory_space<vmem>> -> memref<48xi32, #tpu.memory_space<vmem>>
      %dma_start3A_372 = arith.constant 0 : i32
      %dma_start3A_373 = arith.constant 0 : i32
      %dma_start3A_374 = tpu.memref_slice %arg10[%dma_start3A_372, %dma_start3A_373] : memref<11264x128xf32, #tpu.memory_space<vmem_shared>> -> memref<11264x128xf32, #tpu.memory_space<vmem_shared>>
      %dma_start3A_375 = tpu.memref_slice %arg12[%dma_start3A_364] : memref<5x!tpu.dma_semaphore, #tpu.memory_space<semaphore_mem>> -> memref<1x!tpu.dma_semaphore, #tpu.memory_space<semaphore_mem>>
      %dma_start3A_376 = tpu.memref_squeeze %dma_start3A_375 : memref<1x!tpu.dma_semaphore, #tpu.memory_space<semaphore_mem>> -> memref<!tpu.dma_semaphore, #tpu.memory_space<semaphore_mem>>
      tpu.enqueue_indirect_dma source(%dma_start3A_368 : memref<48x128xf32, #tpu.memory_space<vmem>>) target(%dma_start3A_374 : memref<11264x128xf32, #tpu.memory_space<vmem_shared>>) offsets(%dma_start3A_371 : memref<48xi32, #tpu.memory_space<vmem>>) semaphore(%dma_start3A_376 : memref<!tpu.dma_semaphore, #tpu.memory_space<semaphore_mem>>) {add = true}
      %dma_wait3A_377 = arith.constant 3 : i32
      %dma_wait3A_378 = arith.constant 3 : i32
      %dma_wait3A_379 = arith.constant 3 : i32
      %dma_wait3A_380 = arith.constant 0 : i32
      %dma_wait3A_381 = arith.constant 0 : i32
      %dma_wait3A_382 = tpu.memref_slice %arg9[%dma_wait3A_378, %dma_wait3A_380, %dma_wait3A_381] : memref<5x48x128xf32, #tpu.memory_space<vmem>> -> memref<1x48x128xf32, #tpu.memory_space<vmem>>
      %dma_wait3A_383 = tpu.memref_squeeze %dma_wait3A_382 : memref<1x48x128xf32, #tpu.memory_space<vmem>> -> memref<48x128xf32, #tpu.memory_space<vmem>>
      %dma_wait3A_384 = arith.constant 0 : i32
      %dma_wait3A_385 = tpu.memref_slice %arg7[%rem3A_243, %dma_wait3A_377, %dma_wait3A_384] : memref<3x5x48xi32, #tpu.memory_space<vmem>> -> memref<1x1x48xi32, #tpu.memory_space<vmem>>
      %dma_wait3A_386 = tpu.memref_squeeze %dma_wait3A_385 : memref<1x1x48xi32, #tpu.memory_space<vmem>> -> memref<48xi32, #tpu.memory_space<vmem>>
      %dma_wait3A_387 = arith.constant 0 : i32
      %dma_wait3A_388 = arith.constant 0 : i32
      %dma_wait3A_389 = tpu.memref_slice %arg2[%dma_wait3A_387, %dma_wait3A_388] : memref<10000x128xf32, #tpu.memory_space<hbm>> -> memref<10000x128xf32, #tpu.memory_space<hbm>>
      %dma_wait3A_390 = tpu.memref_slice %arg11[%dma_wait3A_379] : memref<5x!tpu.dma_semaphore, #tpu.memory_space<semaphore_mem>> -> memref<1x!tpu.dma_semaphore, #tpu.memory_space<semaphore_mem>>
      %dma_wait3A_391 = tpu.memref_squeeze %dma_wait3A_390 : memref<1x!tpu.dma_semaphore, #tpu.memory_space<semaphore_mem>> -> memref<!tpu.dma_semaphore, #tpu.memory_space<semaphore_mem>>
      tpu.wait_indirect_dma semaphore(%dma_wait3A_391 : memref<!tpu.dma_semaphore, #tpu.memory_space<semaphore_mem>>) src(%dma_wait3A_389 : memref<10000x128xf32, #tpu.memory_space<hbm>>) dst(%dma_wait3A_383 : memref<48x128xf32, #tpu.memory_space<vmem>>)
      %dma_start3A_392 = arith.constant 3 : i32
      %dma_start3A_393 = arith.constant 3 : i32
      %dma_start3A_394 = arith.constant 3 : i32
      %dma_start3A_395 = arith.constant 0 : i32
      %dma_start3A_396 = arith.constant 0 : i32
      %dma_start3A_397 = tpu.memref_slice %arg9[%dma_start3A_392, %dma_start3A_395, %dma_start3A_396] : memref<5x48x128xf32, #tpu.memory_space<vmem>> -> memref<1x48x128xf32, #tpu.memory_space<vmem>>
      %dma_start3A_398 = tpu.memref_squeeze %dma_start3A_397 : memref<1x48x128xf32, #tpu.memory_space<vmem>> -> memref<48x128xf32, #tpu.memory_space<vmem>>
      %dma_start3A_399 = arith.constant 0 : i32
      %dma_start3A_400 = tpu.memref_slice %arg8[%rem3A_243, %dma_start3A_393, %dma_start3A_399] : memref<3x5x48xi32, #tpu.memory_space<vmem>> -> memref<1x1x48xi32, #tpu.memory_space<vmem>>
      %dma_start3A_401 = tpu.memref_squeeze %dma_start3A_400 : memref<1x1x48xi32, #tpu.memory_space<vmem>> -> memref<48xi32, #tpu.memory_space<vmem>>
      %dma_start3A_402 = arith.constant 0 : i32
      %dma_start3A_403 = arith.constant 0 : i32
      %dma_start3A_404 = tpu.memref_slice %arg10[%dma_start3A_402, %dma_start3A_403] : memref<11264x128xf32, #tpu.memory_space<vmem_shared>> -> memref<11264x128xf32, #tpu.memory_space<vmem_shared>>
      %dma_start3A_405 = tpu.memref_slice %arg12[%dma_start3A_394] : memref<5x!tpu.dma_semaphore, #tpu.memory_space<semaphore_mem>> -> memref<1x!tpu.dma_semaphore, #tpu.memory_space<semaphore_mem>>
      %dma_start3A_406 = tpu.memref_squeeze %dma_start3A_405 : memref<1x!tpu.dma_semaphore, #tpu.memory_space<semaphore_mem>> -> memref<!tpu.dma_semaphore, #tpu.memory_space<semaphore_mem>>
      tpu.enqueue_indirect_dma source(%dma_start3A_398 : memref<48x128xf32, #tpu.memory_space<vmem>>) target(%dma_start3A_404 : memref<11264x128xf32, #tpu.memory_space<vmem_shared>>) offsets(%dma_start3A_401 : memref<48xi32, #tpu.memory_space<vmem>>) semaphore(%dma_start3A_406 : memref<!tpu.dma_semaphore, #tpu.memory_space<semaphore_mem>>) {add = true}
      %dma_wait3A_407 = arith.constant 4 : i32
      %dma_wait3A_408 = arith.constant 4 : i32
      %dma_wait3A_409 = arith.constant 4 : i32
      %dma_wait3A_410 = arith.constant 0 : i32
      %dma_wait3A_411 = arith.constant 0 : i32
      %dma_wait3A_412 = tpu.memref_slice %arg9[%dma_wait3A_408, %dma_wait3A_410, %dma_wait3A_411] : memref<5x48x128xf32, #tpu.memory_space<vmem>> -> memref<1x48x128xf32, #tpu.memory_space<vmem>>
      %dma_wait3A_413 = tpu.memref_squeeze %dma_wait3A_412 : memref<1x48x128xf32, #tpu.memory_space<vmem>> -> memref<48x128xf32, #tpu.memory_space<vmem>>
      %dma_wait3A_414 = arith.constant 0 : i32
      %dma_wait3A_415 = tpu.memref_slice %arg7[%rem3A_243, %dma_wait3A_407, %dma_wait3A_414] : memref<3x5x48xi32, #tpu.memory_space<vmem>> -> memref<1x1x48xi32, #tpu.memory_space<vmem>>
      %dma_wait3A_416 = tpu.memref_squeeze %dma_wait3A_415 : memref<1x1x48xi32, #tpu.memory_space<vmem>> -> memref<48xi32, #tpu.memory_space<vmem>>
      %dma_wait3A_417 = arith.constant 0 : i32
      %dma_wait3A_418 = arith.constant 0 : i32
      %dma_wait3A_419 = tpu.memref_slice %arg2[%dma_wait3A_417, %dma_wait3A_418] : memref<10000x128xf32, #tpu.memory_space<hbm>> -> memref<10000x128xf32, #tpu.memory_space<hbm>>
      %dma_wait3A_420 = tpu.memref_slice %arg11[%dma_wait3A_409] : memref<5x!tpu.dma_semaphore, #tpu.memory_space<semaphore_mem>> -> memref<1x!tpu.dma_semaphore, #tpu.memory_space<semaphore_mem>>
      %dma_wait3A_421 = tpu.memref_squeeze %dma_wait3A_420 : memref<1x!tpu.dma_semaphore, #tpu.memory_space<semaphore_mem>> -> memref<!tpu.dma_semaphore, #tpu.memory_space<semaphore_mem>>
      tpu.wait_indirect_dma semaphore(%dma_wait3A_421 : memref<!tpu.dma_semaphore, #tpu.memory_space<semaphore_mem>>) src(%dma_wait3A_419 : memref<10000x128xf32, #tpu.memory_space<hbm>>) dst(%dma_wait3A_413 : memref<48x128xf32, #tpu.memory_space<vmem>>)
      %dma_start3A_422 = arith.constant 4 : i32
      %dma_start3A_423 = arith.constant 4 : i32
      %dma_start3A_424 = arith.constant 4 : i32
      %dma_start3A_425 = arith.constant 0 : i32
      %dma_start3A_426 = arith.constant 0 : i32
      %dma_start3A_427 = tpu.memref_slice %arg9[%dma_start3A_422, %dma_start3A_425, %dma_start3A_426] : memref<5x48x128xf32, #tpu.memory_space<vmem>> -> memref<1x48x128xf32, #tpu.memory_space<vmem>>
      %dma_start3A_428 = tpu.memref_squeeze %dma_start3A_427 : memref<1x48x128xf32, #tpu.memory_space<vmem>> -> memref<48x128xf32, #tpu.memory_space<vmem>>
      %dma_start3A_429 = arith.constant 0 : i32
      %dma_start3A_430 = tpu.memref_slice %arg8[%rem3A_243, %dma_start3A_423, %dma_start3A_429] : memref<3x5x48xi32, #tpu.memory_space<vmem>> -> memref<1x1x48xi32, #tpu.memory_space<vmem>>
      %dma_start3A_431 = tpu.memref_squeeze %dma_start3A_430 : memref<1x1x48xi32, #tpu.memory_space<vmem>> -> memref<48xi32, #tpu.memory_space<vmem>>
      %dma_start3A_432 = arith.constant 0 : i32
      %dma_start3A_433 = arith.constant 0 : i32
      %dma_start3A_434 = tpu.memref_slice %arg10[%dma_start3A_432, %dma_start3A_433] : memref<11264x128xf32, #tpu.memory_space<vmem_shared>> -> memref<11264x128xf32, #tpu.memory_space<vmem_shared>>
      %dma_start3A_435 = tpu.memref_slice %arg12[%dma_start3A_424] : memref<5x!tpu.dma_semaphore, #tpu.memory_space<semaphore_mem>> -> memref<1x!tpu.dma_semaphore, #tpu.memory_space<semaphore_mem>>
      %dma_start3A_436 = tpu.memref_squeeze %dma_start3A_435 : memref<1x!tpu.dma_semaphore, #tpu.memory_space<semaphore_mem>> -> memref<!tpu.dma_semaphore, #tpu.memory_space<semaphore_mem>>
      tpu.enqueue_indirect_dma source(%dma_start3A_428 : memref<48x128xf32, #tpu.memory_space<vmem>>) target(%dma_start3A_434 : memref<11264x128xf32, #tpu.memory_space<vmem_shared>>) offsets(%dma_start3A_431 : memref<48xi32, #tpu.memory_space<vmem>>) semaphore(%dma_start3A_436 : memref<!tpu.dma_semaphore, #tpu.memory_space<semaphore_mem>>) {add = true}
      %dma_wait3A_437 = arith.constant 0 : i32
      %dma_wait3A_438 = arith.constant 0 : i32
      %dma_wait3A_439 = tpu.memref_slice %arg7[%rem3A_247, %dma_wait3A_437, %dma_wait3A_438] : memref<3x5x48xi32, #tpu.memory_space<vmem>> -> memref<1x5x48xi32, #tpu.memory_space<vmem>>
      %dma_wait3A_440 = tpu.memref_squeeze %dma_wait3A_439 : memref<1x5x48xi32, #tpu.memory_space<vmem>> -> memref<5x48xi32, #tpu.memory_space<vmem>>
      %dma_wait3A_441 = arith.constant 0 : i32
      %dma_wait3A_442 = arith.constant 0 : i32
      %dma_wait3A_443 = tpu.memref_slice %arg3[%add3A, %min3A_254, %dma_wait3A_441, %dma_wait3A_442] : memref<32x42x5x48xi32, #tpu.memory_space<hbm>> -> memref<1x1x5x48xi32, #tpu.memory_space<hbm>>
      %dma_wait3A_444 = tpu.memref_squeeze %dma_wait3A_443 : memref<1x1x5x48xi32, #tpu.memory_space<hbm>> -> memref<5x48xi32, #tpu.memory_space<hbm>>
      %dma_wait3A_445 = arith.constant 0 : i32
      %dma_wait3A_446 = arith.constant 0 : i32
      %dma_wait3A_447 = tpu.memref_slice %arg7[%rem3A_247, %dma_wait3A_445, %dma_wait3A_446] : memref<3x5x48xi32, #tpu.memory_space<vmem>> -> memref<1x5x48xi32, #tpu.memory_space<vmem>>
      %dma_wait3A_448 = tpu.memref_squeeze %dma_wait3A_447 : memref<1x5x48xi32, #tpu.memory_space<vmem>> -> memref<5x48xi32, #tpu.memory_space<vmem>>
      %dma_wait3A_449 = arith.constant 0 : i32
      %dma_wait3A_450 = arith.constant 0 : i32
      %dma_wait3A_451 = tpu.memref_slice %arg3[%add3A, %min3A_254, %dma_wait3A_449, %dma_wait3A_450] : memref<32x42x5x48xi32, #tpu.memory_space<hbm>> -> memref<1x1x5x48xi32, #tpu.memory_space<hbm>>
      %dma_wait3A_452 = tpu.memref_squeeze %dma_wait3A_451 : memref<1x1x5x48xi32, #tpu.memory_space<hbm>> -> memref<5x48xi32, #tpu.memory_space<hbm>>
      tpu.wait_dma2 semaphore(%arg13 : memref<!tpu.dma_semaphore, #tpu.memory_space<semaphore_mem>>) src(%dma_wait3A_452 : memref<5x48xi32, #tpu.memory_space<hbm>>) dst(%dma_wait3A_448 : memref<5x48xi32, #tpu.memory_space<vmem>>)
      %dma_wait3A_453 = arith.constant 0 : i32
      %dma_wait3A_454 = arith.constant 0 : i32
      %dma_wait3A_455 = tpu.memref_slice %arg8[%rem3A_247, %dma_wait3A_453, %dma_wait3A_454] : memref<3x5x48xi32, #tpu.memory_space<vmem>> -> memref<1x5x48xi32, #tpu.memory_space<vmem>>
      %dma_wait3A_456 = tpu.memref_squeeze %dma_wait3A_455 : memref<1x5x48xi32, #tpu.memory_space<vmem>> -> memref<5x48xi32, #tpu.memory_space<vmem>>
      %dma_wait3A_457 = arith.constant 0 : i32
      %dma_wait3A_458 = arith.constant 0 : i32
      %dma_wait3A_459 = tpu.memref_slice %arg4[%add3A, %min3A_254, %dma_wait3A_457, %dma_wait3A_458] : memref<32x42x5x48xi32, #tpu.memory_space<hbm>> -> memref<1x1x5x48xi32, #tpu.memory_space<hbm>>
      %dma_wait3A_460 = tpu.memref_squeeze %dma_wait3A_459 : memref<1x1x5x48xi32, #tpu.memory_space<hbm>> -> memref<5x48xi32, #tpu.memory_space<hbm>>
      %dma_wait3A_461 = arith.constant 0 : i32
      %dma_wait3A_462 = arith.constant 0 : i32
      %dma_wait3A_463 = tpu.memref_slice %arg8[%rem3A_247, %dma_wait3A_461, %dma_wait3A_462] : memref<3x5x48xi32, #tpu.memory_space<vmem>> -> memref<1x5x48xi32, #tpu.memory_space<vmem>>
      %dma_wait3A_464 = tpu.memref_squeeze %dma_wait3A_463 : memref<1x5x48xi32, #tpu.memory_space<vmem>> -> memref<5x48xi32, #tpu.memory_space<vmem>>
      %dma_wait3A_465 = arith.constant 0 : i32
      %dma_wait3A_466 = arith.constant 0 : i32
      %dma_wait3A_467 = tpu.memref_slice %arg4[%add3A, %min3A_254, %dma_wait3A_465, %dma_wait3A_466] : memref<32x42x5x48xi32, #tpu.memory_space<hbm>> -> memref<1x1x5x48xi32, #tpu.memory_space<hbm>>
      %dma_wait3A_468 = tpu.memref_squeeze %dma_wait3A_467 : memref<1x1x5x48xi32, #tpu.memory_space<hbm>> -> memref<5x48xi32, #tpu.memory_space<hbm>>
      tpu.wait_dma2 semaphore(%arg14 : memref<!tpu.dma_semaphore, #tpu.memory_space<semaphore_mem>>) src(%dma_wait3A_468 : memref<5x48xi32, #tpu.memory_space<hbm>>) dst(%dma_wait3A_464 : memref<5x48xi32, #tpu.memory_space<vmem>>)
      %dma_wait3A_469 = arith.constant 0 : i32
      %dma_wait3A_470 = arith.constant 0 : i32
      %dma_wait3A_471 = arith.constant 0 : i32
      %dma_wait3A_472 = arith.constant 0 : i32
      %dma_wait3A_473 = arith.constant 0 : i32
      %dma_wait3A_474 = tpu.memref_slice %arg9[%dma_wait3A_469, %dma_wait3A_472, %dma_wait3A_473] : memref<5x48x128xf32, #tpu.memory_space<vmem>> -> memref<1x48x128xf32, #tpu.memory_space<vmem>>
      %dma_wait3A_475 = tpu.memref_squeeze %dma_wait3A_474 : memref<1x48x128xf32, #tpu.memory_space<vmem>> -> memref<48x128xf32, #tpu.memory_space<vmem>>
      %dma_wait3A_476 = arith.constant 0 : i32
      %dma_wait3A_477 = tpu.memref_slice %arg8[%rem3A_243, %dma_wait3A_470, %dma_wait3A_476] : memref<3x5x48xi32, #tpu.memory_space<vmem>> -> memref<1x1x48xi32, #tpu.memory_space<vmem>>
      %dma_wait3A_478 = tpu.memref_squeeze %dma_wait3A_477 : memref<1x1x48xi32, #tpu.memory_space<vmem>> -> memref<48xi32, #tpu.memory_space<vmem>>
      %dma_wait3A_479 = arith.constant 0 : i32
      %dma_wait3A_480 = arith.constant 0 : i32
      %dma_wait3A_481 = tpu.memref_slice %arg10[%dma_wait3A_479, %dma_wait3A_480] : memref<11264x128xf32, #tpu.memory_space<vmem_shared>> -> memref<11264x128xf32, #tpu.memory_space<vmem_shared>>
      %dma_wait3A_482 = tpu.memref_slice %arg12[%dma_wait3A_471] : memref<5x!tpu.dma_semaphore, #tpu.memory_space<semaphore_mem>> -> memref<1x!tpu.dma_semaphore, #tpu.memory_space<semaphore_mem>>
      %dma_wait3A_483 = tpu.memref_squeeze %dma_wait3A_482 : memref<1x!tpu.dma_semaphore, #tpu.memory_space<semaphore_mem>> -> memref<!tpu.dma_semaphore, #tpu.memory_space<semaphore_mem>>
      tpu.wait_indirect_dma semaphore(%dma_wait3A_483 : memref<!tpu.dma_semaphore, #tpu.memory_space<semaphore_mem>>) src(%dma_wait3A_475 : memref<48x128xf32, #tpu.memory_space<vmem>>) dst(%dma_wait3A_481 : memref<11264x128xf32, #tpu.memory_space<vmem_shared>>)
      %dma_start3A_484 = arith.constant 0 : i32
      %dma_start3A_485 = arith.constant 0 : i32
      %dma_start3A_486 = arith.constant 0 : i32
      %dma_start3A_487 = arith.constant 0 : i32
      %dma_start3A_488 = arith.constant 0 : i32
      %dma_start3A_489 = tpu.memref_slice %arg9[%dma_start3A_485, %dma_start3A_487, %dma_start3A_488] : memref<5x48x128xf32, #tpu.memory_space<vmem>> -> memref<1x48x128xf32, #tpu.memory_space<vmem>>
      %dma_start3A_490 = tpu.memref_squeeze %dma_start3A_489 : memref<1x48x128xf32, #tpu.memory_space<vmem>> -> memref<48x128xf32, #tpu.memory_space<vmem>>
      %dma_start3A_491 = arith.constant 0 : i32
      %dma_start3A_492 = tpu.memref_slice %arg7[%rem3A_247, %dma_start3A_484, %dma_start3A_491] : memref<3x5x48xi32, #tpu.memory_space<vmem>> -> memref<1x1x48xi32, #tpu.memory_space<vmem>>
      %dma_start3A_493 = tpu.memref_squeeze %dma_start3A_492 : memref<1x1x48xi32, #tpu.memory_space<vmem>> -> memref<48xi32, #tpu.memory_space<vmem>>
      %dma_start3A_494 = arith.constant 0 : i32
      %dma_start3A_495 = arith.constant 0 : i32
      %dma_start3A_496 = tpu.memref_slice %arg2[%dma_start3A_494, %dma_start3A_495] : memref<10000x128xf32, #tpu.memory_space<hbm>> -> memref<10000x128xf32, #tpu.memory_space<hbm>>
      %dma_start3A_497 = tpu.memref_slice %arg11[%dma_start3A_486] : memref<5x!tpu.dma_semaphore, #tpu.memory_space<semaphore_mem>> -> memref<1x!tpu.dma_semaphore, #tpu.memory_space<semaphore_mem>>
      %dma_start3A_498 = tpu.memref_squeeze %dma_start3A_497 : memref<1x!tpu.dma_semaphore, #tpu.memory_space<semaphore_mem>> -> memref<!tpu.dma_semaphore, #tpu.memory_space<semaphore_mem>>
      tpu.enqueue_indirect_dma source(%dma_start3A_496 : memref<10000x128xf32, #tpu.memory_space<hbm>>) target(%dma_start3A_490 : memref<48x128xf32, #tpu.memory_space<vmem>>) offsets(%dma_start3A_493 : memref<48xi32, #tpu.memory_space<vmem>>) semaphore(%dma_start3A_498 : memref<!tpu.dma_semaphore, #tpu.memory_space<semaphore_mem>>)
      %dma_wait3A_499 = arith.constant 1 : i32
      %dma_wait3A_500 = arith.constant 1 : i32
      %dma_wait3A_501 = arith.constant 1 : i32
      %dma_wait3A_502 = arith.constant 0 : i32
      %dma_wait3A_503 = arith.constant 0 : i32
      %dma_wait3A_504 = tpu.memref_slice %arg9[%dma_wait3A_499, %dma_wait3A_502, %dma_wait3A_503] : memref<5x48x128xf32, #tpu.memory_space<vmem>> -> memref<1x48x128xf32, #tpu.memory_space<vmem>>
      %dma_wait3A_505 = tpu.memref_squeeze %dma_wait3A_504 : memref<1x48x128xf32, #tpu.memory_space<vmem>> -> memref<48x128xf32, #tpu.memory_space<vmem>>
      %dma_wait3A_506 = arith.constant 0 : i32
      %dma_wait3A_507 = tpu.memref_slice %arg8[%rem3A_243, %dma_wait3A_500, %dma_wait3A_506] : memref<3x5x48xi32, #tpu.memory_space<vmem>> -> memref<1x1x48xi32, #tpu.memory_space<vmem>>
      %dma_wait3A_508 = tpu.memref_squeeze %dma_wait3A_507 : memref<1x1x48xi32, #tpu.memory_space<vmem>> -> memref<48xi32, #tpu.memory_space<vmem>>
      %dma_wait3A_509 = arith.constant 0 : i32
      %dma_wait3A_510 = arith.constant 0 : i32
      %dma_wait3A_511 = tpu.memref_slice %arg10[%dma_wait3A_509, %dma_wait3A_510] : memref<11264x128xf32, #tpu.memory_space<vmem_shared>> -> memref<11264x128xf32, #tpu.memory_space<vmem_shared>>
      %dma_wait3A_512 = tpu.memref_slice %arg12[%dma_wait3A_501] : memref<5x!tpu.dma_semaphore, #tpu.memory_space<semaphore_mem>> -> memref<1x!tpu.dma_semaphore, #tpu.memory_space<semaphore_mem>>
      %dma_wait3A_513 = tpu.memref_squeeze %dma_wait3A_512 : memref<1x!tpu.dma_semaphore, #tpu.memory_space<semaphore_mem>> -> memref<!tpu.dma_semaphore, #tpu.memory_space<semaphore_mem>>
      tpu.wait_indirect_dma semaphore(%dma_wait3A_513 : memref<!tpu.dma_semaphore, #tpu.memory_space<semaphore_mem>>) src(%dma_wait3A_505 : memref<48x128xf32, #tpu.memory_space<vmem>>) dst(%dma_wait3A_511 : memref<11264x128xf32, #tpu.memory_space<vmem_shared>>)
      %dma_start3A_514 = arith.constant 1 : i32
      %dma_start3A_515 = arith.constant 1 : i32
      %dma_start3A_516 = arith.constant 1 : i32
      %dma_start3A_517 = arith.constant 0 : i32
      %dma_start3A_518 = arith.constant 0 : i32
      %dma_start3A_519 = tpu.memref_slice %arg9[%dma_start3A_515, %dma_start3A_517, %dma_start3A_518] : memref<5x48x128xf32, #tpu.memory_space<vmem>> -> memref<1x48x128xf32, #tpu.memory_space<vmem>>
      %dma_start3A_520 = tpu.memref_squeeze %dma_start3A_519 : memref<1x48x128xf32, #tpu.memory_space<vmem>> -> memref<48x128xf32, #tpu.memory_space<vmem>>
      %dma_start3A_521 = arith.constant 0 : i32
      %dma_start3A_522 = tpu.memref_slice %arg7[%rem3A_247, %dma_start3A_514, %dma_start3A_521] : memref<3x5x48xi32, #tpu.memory_space<vmem>> -> memref<1x1x48xi32, #tpu.memory_space<vmem>>
      %dma_start3A_523 = tpu.memref_squeeze %dma_start3A_522 : memref<1x1x48xi32, #tpu.memory_space<vmem>> -> memref<48xi32, #tpu.memory_space<vmem>>
      %dma_start3A_524 = arith.constant 0 : i32
      %dma_start3A_525 = arith.constant 0 : i32
      %dma_start3A_526 = tpu.memref_slice %arg2[%dma_start3A_524, %dma_start3A_525] : memref<10000x128xf32, #tpu.memory_space<hbm>> -> memref<10000x128xf32, #tpu.memory_space<hbm>>
      %dma_start3A_527 = tpu.memref_slice %arg11[%dma_start3A_516] : memref<5x!tpu.dma_semaphore, #tpu.memory_space<semaphore_mem>> -> memref<1x!tpu.dma_semaphore, #tpu.memory_space<semaphore_mem>>
      %dma_start3A_528 = tpu.memref_squeeze %dma_start3A_527 : memref<1x!tpu.dma_semaphore, #tpu.memory_space<semaphore_mem>> -> memref<!tpu.dma_semaphore, #tpu.memory_space<semaphore_mem>>
      tpu.enqueue_indirect_dma source(%dma_start3A_526 : memref<10000x128xf32, #tpu.memory_space<hbm>>) target(%dma_start3A_520 : memref<48x128xf32, #tpu.memory_space<vmem>>) offsets(%dma_start3A_523 : memref<48xi32, #tpu.memory_space<vmem>>) semaphore(%dma_start3A_528 : memref<!tpu.dma_semaphore, #tpu.memory_space<semaphore_mem>>)
      %dma_wait3A_529 = arith.constant 2 : i32
      %dma_wait3A_530 = arith.constant 2 : i32
      %dma_wait3A_531 = arith.constant 2 : i32
      %dma_wait3A_532 = arith.constant 0 : i32
      %dma_wait3A_533 = arith.constant 0 : i32
      %dma_wait3A_534 = tpu.memref_slice %arg9[%dma_wait3A_529, %dma_wait3A_532, %dma_wait3A_533] : memref<5x48x128xf32, #tpu.memory_space<vmem>> -> memref<1x48x128xf32, #tpu.memory_space<vmem>>
      %dma_wait3A_535 = tpu.memref_squeeze %dma_wait3A_534 : memref<1x48x128xf32, #tpu.memory_space<vmem>> -> memref<48x128xf32, #tpu.memory_space<vmem>>
      %dma_wait3A_536 = arith.constant 0 : i32
      %dma_wait3A_537 = tpu.memref_slice %arg8[%rem3A_243, %dma_wait3A_530, %dma_wait3A_536] : memref<3x5x48xi32, #tpu.memory_space<vmem>> -> memref<1x1x48xi32, #tpu.memory_space<vmem>>
      %dma_wait3A_538 = tpu.memref_squeeze %dma_wait3A_537 : memref<1x1x48xi32, #tpu.memory_space<vmem>> -> memref<48xi32, #tpu.memory_space<vmem>>
      %dma_wait3A_539 = arith.constant 0 : i32
      %dma_wait3A_540 = arith.constant 0 : i32
      %dma_wait3A_541 = tpu.memref_slice %arg10[%dma_wait3A_539, %dma_wait3A_540] : memref<11264x128xf32, #tpu.memory_space<vmem_shared>> -> memref<11264x128xf32, #tpu.memory_space<vmem_shared>>
      %dma_wait3A_542 = tpu.memref_slice %arg12[%dma_wait3A_531] : memref<5x!tpu.dma_semaphore, #tpu.memory_space<semaphore_mem>> -> memref<1x!tpu.dma_semaphore, #tpu.memory_space<semaphore_mem>>
      %dma_wait3A_543 = tpu.memref_squeeze %dma_wait3A_542 : memref<1x!tpu.dma_semaphore, #tpu.memory_space<semaphore_mem>> -> memref<!tpu.dma_semaphore, #tpu.memory_space<semaphore_mem>>
      tpu.wait_indirect_dma semaphore(%dma_wait3A_543 : memref<!tpu.dma_semaphore, #tpu.memory_space<semaphore_mem>>) src(%dma_wait3A_535 : memref<48x128xf32, #tpu.memory_space<vmem>>) dst(%dma_wait3A_541 : memref<11264x128xf32, #tpu.memory_space<vmem_shared>>)
      %dma_start3A_544 = arith.constant 2 : i32
      %dma_start3A_545 = arith.constant 2 : i32
      %dma_start3A_546 = arith.constant 2 : i32
      %dma_start3A_547 = arith.constant 0 : i32
      %dma_start3A_548 = arith.constant 0 : i32
      %dma_start3A_549 = tpu.memref_slice %arg9[%dma_start3A_545, %dma_start3A_547, %dma_start3A_548] : memref<5x48x128xf32, #tpu.memory_space<vmem>> -> memref<1x48x128xf32, #tpu.memory_space<vmem>>
      %dma_start3A_550 = tpu.memref_squeeze %dma_start3A_549 : memref<1x48x128xf32, #tpu.memory_space<vmem>> -> memref<48x128xf32, #tpu.memory_space<vmem>>
      %dma_start3A_551 = arith.constant 0 : i32
      %dma_start3A_552 = tpu.memref_slice %arg7[%rem3A_247, %dma_start3A_544, %dma_start3A_551] : memref<3x5x48xi32, #tpu.memory_space<vmem>> -> memref<1x1x48xi32, #tpu.memory_space<vmem>>
      %dma_start3A_553 = tpu.memref_squeeze %dma_start3A_552 : memref<1x1x48xi32, #tpu.memory_space<vmem>> -> memref<48xi32, #tpu.memory_space<vmem>>
      %dma_start3A_554 = arith.constant 0 : i32
      %dma_start3A_555 = arith.constant 0 : i32
      %dma_start3A_556 = tpu.memref_slice %arg2[%dma_start3A_554, %dma_start3A_555] : memref<10000x128xf32, #tpu.memory_space<hbm>> -> memref<10000x128xf32, #tpu.memory_space<hbm>>
      %dma_start3A_557 = tpu.memref_slice %arg11[%dma_start3A_546] : memref<5x!tpu.dma_semaphore, #tpu.memory_space<semaphore_mem>> -> memref<1x!tpu.dma_semaphore, #tpu.memory_space<semaphore_mem>>
      %dma_start3A_558 = tpu.memref_squeeze %dma_start3A_557 : memref<1x!tpu.dma_semaphore, #tpu.memory_space<semaphore_mem>> -> memref<!tpu.dma_semaphore, #tpu.memory_space<semaphore_mem>>
      tpu.enqueue_indirect_dma source(%dma_start3A_556 : memref<10000x128xf32, #tpu.memory_space<hbm>>) target(%dma_start3A_550 : memref<48x128xf32, #tpu.memory_space<vmem>>) offsets(%dma_start3A_553 : memref<48xi32, #tpu.memory_space<vmem>>) semaphore(%dma_start3A_558 : memref<!tpu.dma_semaphore, #tpu.memory_space<semaphore_mem>>)
      %dma_wait3A_559 = arith.constant 3 : i32
      %dma_wait3A_560 = arith.constant 3 : i32
      %dma_wait3A_561 = arith.constant 3 : i32
      %dma_wait3A_562 = arith.constant 0 : i32
      %dma_wait3A_563 = arith.constant 0 : i32
      %dma_wait3A_564 = tpu.memref_slice %arg9[%dma_wait3A_559, %dma_wait3A_562, %dma_wait3A_563] : memref<5x48x128xf32, #tpu.memory_space<vmem>> -> memref<1x48x128xf32, #tpu.memory_space<vmem>>
      %dma_wait3A_565 = tpu.memref_squeeze %dma_wait3A_564 : memref<1x48x128xf32, #tpu.memory_space<vmem>> -> memref<48x128xf32, #tpu.memory_space<vmem>>
      %dma_wait3A_566 = arith.constant 0 : i32
      %dma_wait3A_567 = tpu.memref_slice %arg8[%rem3A_243, %dma_wait3A_560, %dma_wait3A_566] : memref<3x5x48xi32, #tpu.memory_space<vmem>> -> memref<1x1x48xi32, #tpu.memory_space<vmem>>
      %dma_wait3A_568 = tpu.memref_squeeze %dma_wait3A_567 : memref<1x1x48xi32, #tpu.memory_space<vmem>> -> memref<48xi32, #tpu.memory_space<vmem>>
      %dma_wait3A_569 = arith.constant 0 : i32
      %dma_wait3A_570 = arith.constant 0 : i32
      %dma_wait3A_571 = tpu.memref_slice %arg10[%dma_wait3A_569, %dma_wait3A_570] : memref<11264x128xf32, #tpu.memory_space<vmem_shared>> -> memref<11264x128xf32, #tpu.memory_space<vmem_shared>>
      %dma_wait3A_572 = tpu.memref_slice %arg12[%dma_wait3A_561] : memref<5x!tpu.dma_semaphore, #tpu.memory_space<semaphore_mem>> -> memref<1x!tpu.dma_semaphore, #tpu.memory_space<semaphore_mem>>
      %dma_wait3A_573 = tpu.memref_squeeze %dma_wait3A_572 : memref<1x!tpu.dma_semaphore, #tpu.memory_space<semaphore_mem>> -> memref<!tpu.dma_semaphore, #tpu.memory_space<semaphore_mem>>
      tpu.wait_indirect_dma semaphore(%dma_wait3A_573 : memref<!tpu.dma_semaphore, #tpu.memory_space<semaphore_mem>>) src(%dma_wait3A_565 : memref<48x128xf32, #tpu.memory_space<vmem>>) dst(%dma_wait3A_571 : memref<11264x128xf32, #tpu.memory_space<vmem_shared>>)
      %dma_start3A_574 = arith.constant 3 : i32
      %dma_start3A_575 = arith.constant 3 : i32
      %dma_start3A_576 = arith.constant 3 : i32
      %dma_start3A_577 = arith.constant 0 : i32
      %dma_start3A_578 = arith.constant 0 : i32
      %dma_start3A_579 = tpu.memref_slice %arg9[%dma_start3A_575, %dma_start3A_577, %dma_start3A_578] : memref<5x48x128xf32, #tpu.memory_space<vmem>> -> memref<1x48x128xf32, #tpu.memory_space<vmem>>
      %dma_start3A_580 = tpu.memref_squeeze %dma_start3A_579 : memref<1x48x128xf32, #tpu.memory_space<vmem>> -> memref<48x128xf32, #tpu.memory_space<vmem>>
      %dma_start3A_581 = arith.constant 0 : i32
      %dma_start3A_582 = tpu.memref_slice %arg7[%rem3A_247, %dma_start3A_574, %dma_start3A_581] : memref<3x5x48xi32, #tpu.memory_space<vmem>> -> memref<1x1x48xi32, #tpu.memory_space<vmem>>
      %dma_start3A_583 = tpu.memref_squeeze %dma_start3A_582 : memref<1x1x48xi32, #tpu.memory_space<vmem>> -> memref<48xi32, #tpu.memory_space<vmem>>
      %dma_start3A_584 = arith.constant 0 : i32
      %dma_start3A_585 = arith.constant 0 : i32
      %dma_start3A_586 = tpu.memref_slice %arg2[%dma_start3A_584, %dma_start3A_585] : memref<10000x128xf32, #tpu.memory_space<hbm>> -> memref<10000x128xf32, #tpu.memory_space<hbm>>
      %dma_start3A_587 = tpu.memref_slice %arg11[%dma_start3A_576] : memref<5x!tpu.dma_semaphore, #tpu.memory_space<semaphore_mem>> -> memref<1x!tpu.dma_semaphore, #tpu.memory_space<semaphore_mem>>
      %dma_start3A_588 = tpu.memref_squeeze %dma_start3A_587 : memref<1x!tpu.dma_semaphore, #tpu.memory_space<semaphore_mem>> -> memref<!tpu.dma_semaphore, #tpu.memory_space<semaphore_mem>>
      tpu.enqueue_indirect_dma source(%dma_start3A_586 : memref<10000x128xf32, #tpu.memory_space<hbm>>) target(%dma_start3A_580 : memref<48x128xf32, #tpu.memory_space<vmem>>) offsets(%dma_start3A_583 : memref<48xi32, #tpu.memory_space<vmem>>) semaphore(%dma_start3A_588 : memref<!tpu.dma_semaphore, #tpu.memory_space<semaphore_mem>>)
      %dma_wait3A_589 = arith.constant 4 : i32
      %dma_wait3A_590 = arith.constant 4 : i32
      %dma_wait3A_591 = arith.constant 4 : i32
      %dma_wait3A_592 = arith.constant 0 : i32
      %dma_wait3A_593 = arith.constant 0 : i32
      %dma_wait3A_594 = tpu.memref_slice %arg9[%dma_wait3A_589, %dma_wait3A_592, %dma_wait3A_593] : memref<5x48x128xf32, #tpu.memory_space<vmem>> -> memref<1x48x128xf32, #tpu.memory_space<vmem>>
      %dma_wait3A_595 = tpu.memref_squeeze %dma_wait3A_594 : memref<1x48x128xf32, #tpu.memory_space<vmem>> -> memref<48x128xf32, #tpu.memory_space<vmem>>
      %dma_wait3A_596 = arith.constant 0 : i32
      %dma_wait3A_597 = tpu.memref_slice %arg8[%rem3A_243, %dma_wait3A_590, %dma_wait3A_596] : memref<3x5x48xi32, #tpu.memory_space<vmem>> -> memref<1x1x48xi32, #tpu.memory_space<vmem>>
      %dma_wait3A_598 = tpu.memref_squeeze %dma_wait3A_597 : memref<1x1x48xi32, #tpu.memory_space<vmem>> -> memref<48xi32, #tpu.memory_space<vmem>>
      %dma_wait3A_599 = arith.constant 0 : i32
      %dma_wait3A_600 = arith.constant 0 : i32
      %dma_wait3A_601 = tpu.memref_slice %arg10[%dma_wait3A_599, %dma_wait3A_600] : memref<11264x128xf32, #tpu.memory_space<vmem_shared>> -> memref<11264x128xf32, #tpu.memory_space<vmem_shared>>
      %dma_wait3A_602 = tpu.memref_slice %arg12[%dma_wait3A_591] : memref<5x!tpu.dma_semaphore, #tpu.memory_space<semaphore_mem>> -> memref<1x!tpu.dma_semaphore, #tpu.memory_space<semaphore_mem>>
      %dma_wait3A_603 = tpu.memref_squeeze %dma_wait3A_602 : memref<1x!tpu.dma_semaphore, #tpu.memory_space<semaphore_mem>> -> memref<!tpu.dma_semaphore, #tpu.memory_space<semaphore_mem>>
      tpu.wait_indirect_dma semaphore(%dma_wait3A_603 : memref<!tpu.dma_semaphore, #tpu.memory_space<semaphore_mem>>) src(%dma_wait3A_595 : memref<48x128xf32, #tpu.memory_space<vmem>>) dst(%dma_wait3A_601 : memref<11264x128xf32, #tpu.memory_space<vmem_shared>>)
      %dma_start3A_604 = arith.constant 4 : i32
      %dma_start3A_605 = arith.constant 4 : i32
      %dma_start3A_606 = arith.constant 4 : i32
      %dma_start3A_607 = arith.constant 0 : i32
      %dma_start3A_608 = arith.constant 0 : i32
      %dma_start3A_609 = tpu.memref_slice %arg9[%dma_start3A_605, %dma_start3A_607, %dma_start3A_608] : memref<5x48x128xf32, #tpu.memory_space<vmem>> -> memref<1x48x128xf32, #tpu.memory_space<vmem>>
      %dma_start3A_610 = tpu.memref_squeeze %dma_start3A_609 : memref<1x48x128xf32, #tpu.memory_space<vmem>> -> memref<48x128xf32, #tpu.memory_space<vmem>>
      %dma_start3A_611 = arith.constant 0 : i32
      %dma_start3A_612 = tpu.memref_slice %arg7[%rem3A_247, %dma_start3A_604, %dma_start3A_611] : memref<3x5x48xi32, #tpu.memory_space<vmem>> -> memref<1x1x48xi32, #tpu.memory_space<vmem>>
      %dma_start3A_613 = tpu.memref_squeeze %dma_start3A_612 : memref<1x1x48xi32, #tpu.memory_space<vmem>> -> memref<48xi32, #tpu.memory_space<vmem>>
      %dma_start3A_614 = arith.constant 0 : i32
      %dma_start3A_615 = arith.constant 0 : i32
      %dma_start3A_616 = tpu.memref_slice %arg2[%dma_start3A_614, %dma_start3A_615] : memref<10000x128xf32, #tpu.memory_space<hbm>> -> memref<10000x128xf32, #tpu.memory_space<hbm>>
      %dma_start3A_617 = tpu.memref_slice %arg11[%dma_start3A_606] : memref<5x!tpu.dma_semaphore, #tpu.memory_space<semaphore_mem>> -> memref<1x!tpu.dma_semaphore, #tpu.memory_space<semaphore_mem>>
      %dma_start3A_618 = tpu.memref_squeeze %dma_start3A_617 : memref<1x!tpu.dma_semaphore, #tpu.memory_space<semaphore_mem>> -> memref<!tpu.dma_semaphore, #tpu.memory_space<semaphore_mem>>
      tpu.enqueue_indirect_dma source(%dma_start3A_616 : memref<10000x128xf32, #tpu.memory_space<hbm>>) target(%dma_start3A_610 : memref<48x128xf32, #tpu.memory_space<vmem>>) offsets(%dma_start3A_613 : memref<48xi32, #tpu.memory_space<vmem>>) semaphore(%dma_start3A_618 : memref<!tpu.dma_semaphore, #tpu.memory_space<semaphore_mem>>)
    }
    %scan3A_125 = arith.constant 42 : i32
    %dma_wait3A = arith.constant 0 : i32
    %dma_wait3A_126 = arith.constant 0 : i32
    %dma_wait3A_127 = arith.constant 0 : i32
    %dma_wait3A_128 = arith.constant 0 : i32
    %dma_wait3A_129 = arith.constant 0 : i32
    %dma_wait3A_130 = arith.constant 0 : i32
    %dma_wait3A_131 = tpu.memref_slice %arg9[%dma_wait3A_127, %dma_wait3A_129, %dma_wait3A_130] : memref<5x48x128xf32, #tpu.memory_space<vmem>> -> memref<1x48x128xf32, #tpu.memory_space<vmem>>
    %dma_wait3A_132 = tpu.memref_squeeze %dma_wait3A_131 : memref<1x48x128xf32, #tpu.memory_space<vmem>> -> memref<48x128xf32, #tpu.memory_space<vmem>>
    %dma_wait3A_133 = arith.constant 0 : i32
    %dma_wait3A_134 = tpu.memref_slice %arg7[%dma_wait3A, %dma_wait3A_126, %dma_wait3A_133] : memref<3x5x48xi32, #tpu.memory_space<vmem>> -> memref<1x1x48xi32, #tpu.memory_space<vmem>>
    %dma_wait3A_135 = tpu.memref_squeeze %dma_wait3A_134 : memref<1x1x48xi32, #tpu.memory_space<vmem>> -> memref<48xi32, #tpu.memory_space<vmem>>
    %dma_wait3A_136 = arith.constant 0 : i32
    %dma_wait3A_137 = arith.constant 0 : i32
    %dma_wait3A_138 = tpu.memref_slice %arg2[%dma_wait3A_136, %dma_wait3A_137] : memref<10000x128xf32, #tpu.memory_space<hbm>> -> memref<10000x128xf32, #tpu.memory_space<hbm>>
    %dma_wait3A_139 = tpu.memref_slice %arg11[%dma_wait3A_128] : memref<5x!tpu.dma_semaphore, #tpu.memory_space<semaphore_mem>> -> memref<1x!tpu.dma_semaphore, #tpu.memory_space<semaphore_mem>>
    %dma_wait3A_140 = tpu.memref_squeeze %dma_wait3A_139 : memref<1x!tpu.dma_semaphore, #tpu.memory_space<semaphore_mem>> -> memref<!tpu.dma_semaphore, #tpu.memory_space<semaphore_mem>>
    tpu.wait_indirect_dma semaphore(%dma_wait3A_140 : memref<!tpu.dma_semaphore, #tpu.memory_space<semaphore_mem>>) src(%dma_wait3A_138 : memref<10000x128xf32, #tpu.memory_space<hbm>>) dst(%dma_wait3A_132 : memref<48x128xf32, #tpu.memory_space<vmem>>)
    %dma_wait3A_141 = arith.constant 0 : i32
    %dma_wait3A_142 = arith.constant 1 : i32
    %dma_wait3A_143 = arith.constant 1 : i32
    %dma_wait3A_144 = arith.constant 1 : i32
    %dma_wait3A_145 = arith.constant 0 : i32
    %dma_wait3A_146 = arith.constant 0 : i32
    %dma_wait3A_147 = tpu.memref_slice %arg9[%dma_wait3A_143, %dma_wait3A_145, %dma_wait3A_146] : memref<5x48x128xf32, #tpu.memory_space<vmem>> -> memref<1x48x128xf32, #tpu.memory_space<vmem>>
    %dma_wait3A_148 = tpu.memref_squeeze %dma_wait3A_147 : memref<1x48x128xf32, #tpu.memory_space<vmem>> -> memref<48x128xf32, #tpu.memory_space<vmem>>
    %dma_wait3A_149 = arith.constant 0 : i32
    %dma_wait3A_150 = tpu.memref_slice %arg7[%dma_wait3A_141, %dma_wait3A_142, %dma_wait3A_149] : memref<3x5x48xi32, #tpu.memory_space<vmem>> -> memref<1x1x48xi32, #tpu.memory_space<vmem>>
    %dma_wait3A_151 = tpu.memref_squeeze %dma_wait3A_150 : memref<1x1x48xi32, #tpu.memory_space<vmem>> -> memref<48xi32, #tpu.memory_space<vmem>>
    %dma_wait3A_152 = arith.constant 0 : i32
    %dma_wait3A_153 = arith.constant 0 : i32
    %dma_wait3A_154 = tpu.memref_slice %arg2[%dma_wait3A_152, %dma_wait3A_153] : memref<10000x128xf32, #tpu.memory_space<hbm>> -> memref<10000x128xf32, #tpu.memory_space<hbm>>
    %dma_wait3A_155 = tpu.memref_slice %arg11[%dma_wait3A_144] : memref<5x!tpu.dma_semaphore, #tpu.memory_space<semaphore_mem>> -> memref<1x!tpu.dma_semaphore, #tpu.memory_space<semaphore_mem>>
    %dma_wait3A_156 = tpu.memref_squeeze %dma_wait3A_155 : memref<1x!tpu.dma_semaphore, #tpu.memory_space<semaphore_mem>> -> memref<!tpu.dma_semaphore, #tpu.memory_space<semaphore_mem>>
    tpu.wait_indirect_dma semaphore(%dma_wait3A_156 : memref<!tpu.dma_semaphore, #tpu.memory_space<semaphore_mem>>) src(%dma_wait3A_154 : memref<10000x128xf32, #tpu.memory_space<hbm>>) dst(%dma_wait3A_148 : memref<48x128xf32, #tpu.memory_space<vmem>>)
    %dma_wait3A_157 = arith.constant 0 : i32
    %dma_wait3A_158 = arith.constant 2 : i32
    %dma_wait3A_159 = arith.constant 2 : i32
    %dma_wait3A_160 = arith.constant 2 : i32
    %dma_wait3A_161 = arith.constant 0 : i32
    %dma_wait3A_162 = arith.constant 0 : i32
    %dma_wait3A_163 = tpu.memref_slice %arg9[%dma_wait3A_159, %dma_wait3A_161, %dma_wait3A_162] : memref<5x48x128xf32, #tpu.memory_space<vmem>> -> memref<1x48x128xf32, #tpu.memory_space<vmem>>
    %dma_wait3A_164 = tpu.memref_squeeze %dma_wait3A_163 : memref<1x48x128xf32, #tpu.memory_space<vmem>> -> memref<48x128xf32, #tpu.memory_space<vmem>>
    %dma_wait3A_165 = arith.constant 0 : i32
    %dma_wait3A_166 = tpu.memref_slice %arg7[%dma_wait3A_157, %dma_wait3A_158, %dma_wait3A_165] : memref<3x5x48xi32, #tpu.memory_space<vmem>> -> memref<1x1x48xi32, #tpu.memory_space<vmem>>
    %dma_wait3A_167 = tpu.memref_squeeze %dma_wait3A_166 : memref<1x1x48xi32, #tpu.memory_space<vmem>> -> memref<48xi32, #tpu.memory_space<vmem>>
    %dma_wait3A_168 = arith.constant 0 : i32
    %dma_wait3A_169 = arith.constant 0 : i32
    %dma_wait3A_170 = tpu.memref_slice %arg2[%dma_wait3A_168, %dma_wait3A_169] : memref<10000x128xf32, #tpu.memory_space<hbm>> -> memref<10000x128xf32, #tpu.memory_space<hbm>>
    %dma_wait3A_171 = tpu.memref_slice %arg11[%dma_wait3A_160] : memref<5x!tpu.dma_semaphore, #tpu.memory_space<semaphore_mem>> -> memref<1x!tpu.dma_semaphore, #tpu.memory_space<semaphore_mem>>
    %dma_wait3A_172 = tpu.memref_squeeze %dma_wait3A_171 : memref<1x!tpu.dma_semaphore, #tpu.memory_space<semaphore_mem>> -> memref<!tpu.dma_semaphore, #tpu.memory_space<semaphore_mem>>
    tpu.wait_indirect_dma semaphore(%dma_wait3A_172 : memref<!tpu.dma_semaphore, #tpu.memory_space<semaphore_mem>>) src(%dma_wait3A_170 : memref<10000x128xf32, #tpu.memory_space<hbm>>) dst(%dma_wait3A_164 : memref<48x128xf32, #tpu.memory_space<vmem>>)
    %dma_wait3A_173 = arith.constant 0 : i32
    %dma_wait3A_174 = arith.constant 3 : i32
    %dma_wait3A_175 = arith.constant 3 : i32
    %dma_wait3A_176 = arith.constant 3 : i32
    %dma_wait3A_177 = arith.constant 0 : i32
    %dma_wait3A_178 = arith.constant 0 : i32
    %dma_wait3A_179 = tpu.memref_slice %arg9[%dma_wait3A_175, %dma_wait3A_177, %dma_wait3A_178] : memref<5x48x128xf32, #tpu.memory_space<vmem>> -> memref<1x48x128xf32, #tpu.memory_space<vmem>>
    %dma_wait3A_180 = tpu.memref_squeeze %dma_wait3A_179 : memref<1x48x128xf32, #tpu.memory_space<vmem>> -> memref<48x128xf32, #tpu.memory_space<vmem>>
    %dma_wait3A_181 = arith.constant 0 : i32
    %dma_wait3A_182 = tpu.memref_slice %arg7[%dma_wait3A_173, %dma_wait3A_174, %dma_wait3A_181] : memref<3x5x48xi32, #tpu.memory_space<vmem>> -> memref<1x1x48xi32, #tpu.memory_space<vmem>>
    %dma_wait3A_183 = tpu.memref_squeeze %dma_wait3A_182 : memref<1x1x48xi32, #tpu.memory_space<vmem>> -> memref<48xi32, #tpu.memory_space<vmem>>
    %dma_wait3A_184 = arith.constant 0 : i32
    %dma_wait3A_185 = arith.constant 0 : i32
    %dma_wait3A_186 = tpu.memref_slice %arg2[%dma_wait3A_184, %dma_wait3A_185] : memref<10000x128xf32, #tpu.memory_space<hbm>> -> memref<10000x128xf32, #tpu.memory_space<hbm>>
    %dma_wait3A_187 = tpu.memref_slice %arg11[%dma_wait3A_176] : memref<5x!tpu.dma_semaphore, #tpu.memory_space<semaphore_mem>> -> memref<1x!tpu.dma_semaphore, #tpu.memory_space<semaphore_mem>>
    %dma_wait3A_188 = tpu.memref_squeeze %dma_wait3A_187 : memref<1x!tpu.dma_semaphore, #tpu.memory_space<semaphore_mem>> -> memref<!tpu.dma_semaphore, #tpu.memory_space<semaphore_mem>>
    tpu.wait_indirect_dma semaphore(%dma_wait3A_188 : memref<!tpu.dma_semaphore, #tpu.memory_space<semaphore_mem>>) src(%dma_wait3A_186 : memref<10000x128xf32, #tpu.memory_space<hbm>>) dst(%dma_wait3A_180 : memref<48x128xf32, #tpu.memory_space<vmem>>)
    %dma_wait3A_189 = arith.constant 0 : i32
    %dma_wait3A_190 = arith.constant 4 : i32
    %dma_wait3A_191 = arith.constant 4 : i32
    %dma_wait3A_192 = arith.constant 4 : i32
    %dma_wait3A_193 = arith.constant 0 : i32
    %dma_wait3A_194 = arith.constant 0 : i32
    %dma_wait3A_195 = tpu.memref_slice %arg9[%dma_wait3A_191, %dma_wait3A_193, %dma_wait3A_194] : memref<5x48x128xf32, #tpu.memory_space<vmem>> -> memref<1x48x128xf32, #tpu.memory_space<vmem>>
    %dma_wait3A_196 = tpu.memref_squeeze %dma_wait3A_195 : memref<1x48x128xf32, #tpu.memory_space<vmem>> -> memref<48x128xf32, #tpu.memory_space<vmem>>
    %dma_wait3A_197 = arith.constant 0 : i32
    %dma_wait3A_198 = tpu.memref_slice %arg7[%dma_wait3A_189, %dma_wait3A_190, %dma_wait3A_197] : memref<3x5x48xi32, #tpu.memory_space<vmem>> -> memref<1x1x48xi32, #tpu.memory_space<vmem>>
    %dma_wait3A_199 = tpu.memref_squeeze %dma_wait3A_198 : memref<1x1x48xi32, #tpu.memory_space<vmem>> -> memref<48xi32, #tpu.memory_space<vmem>>
    %dma_wait3A_200 = arith.constant 0 : i32
    %dma_wait3A_201 = arith.constant 0 : i32
    %dma_wait3A_202 = tpu.memref_slice %arg2[%dma_wait3A_200, %dma_wait3A_201] : memref<10000x128xf32, #tpu.memory_space<hbm>> -> memref<10000x128xf32, #tpu.memory_space<hbm>>
    %dma_wait3A_203 = tpu.memref_slice %arg11[%dma_wait3A_192] : memref<5x!tpu.dma_semaphore, #tpu.memory_space<semaphore_mem>> -> memref<1x!tpu.dma_semaphore, #tpu.memory_space<semaphore_mem>>
    %dma_wait3A_204 = tpu.memref_squeeze %dma_wait3A_203 : memref<1x!tpu.dma_semaphore, #tpu.memory_space<semaphore_mem>> -> memref<!tpu.dma_semaphore, #tpu.memory_space<semaphore_mem>>
    tpu.wait_indirect_dma semaphore(%dma_wait3A_204 : memref<!tpu.dma_semaphore, #tpu.memory_space<semaphore_mem>>) src(%dma_wait3A_202 : memref<10000x128xf32, #tpu.memory_space<hbm>>) dst(%dma_wait3A_196 : memref<48x128xf32, #tpu.memory_space<vmem>>)
    %dma_wait3A_205 = arith.constant 0 : i32
    %dma_wait3A_206 = arith.constant 2 : i32
    %dma_wait3A_207 = arith.constant 0 : i32
    %dma_wait3A_208 = arith.constant 0 : i32
    %dma_wait3A_209 = tpu.memref_slice %arg7[%dma_wait3A_206, %dma_wait3A_207, %dma_wait3A_208] : memref<3x5x48xi32, #tpu.memory_space<vmem>> -> memref<1x5x48xi32, #tpu.memory_space<vmem>>
    %dma_wait3A_210 = tpu.memref_squeeze %dma_wait3A_209 : memref<1x5x48xi32, #tpu.memory_space<vmem>> -> memref<5x48xi32, #tpu.memory_space<vmem>>
    %dma_wait3A_211 = arith.constant 0 : i32
    %dma_wait3A_212 = arith.constant 0 : i32
    %dma_wait3A_213 = tpu.memref_slice %arg3[%add3A, %dma_wait3A_205, %dma_wait3A_211, %dma_wait3A_212] : memref<32x42x5x48xi32, #tpu.memory_space<hbm>> -> memref<1x1x5x48xi32, #tpu.memory_space<hbm>>
    %dma_wait3A_214 = tpu.memref_squeeze %dma_wait3A_213 : memref<1x1x5x48xi32, #tpu.memory_space<hbm>> -> memref<5x48xi32, #tpu.memory_space<hbm>>
    %dma_wait3A_215 = arith.constant 0 : i32
    %dma_wait3A_216 = arith.constant 0 : i32
    %dma_wait3A_217 = tpu.memref_slice %arg7[%dma_wait3A_206, %dma_wait3A_215, %dma_wait3A_216] : memref<3x5x48xi32, #tpu.memory_space<vmem>> -> memref<1x5x48xi32, #tpu.memory_space<vmem>>
    %dma_wait3A_218 = tpu.memref_squeeze %dma_wait3A_217 : memref<1x5x48xi32, #tpu.memory_space<vmem>> -> memref<5x48xi32, #tpu.memory_space<vmem>>
    %dma_wait3A_219 = arith.constant 0 : i32
    %dma_wait3A_220 = arith.constant 0 : i32
    %dma_wait3A_221 = tpu.memref_slice %arg3[%add3A, %dma_wait3A_205, %dma_wait3A_219, %dma_wait3A_220] : memref<32x42x5x48xi32, #tpu.memory_space<hbm>> -> memref<1x1x5x48xi32, #tpu.memory_space<hbm>>
    %dma_wait3A_222 = tpu.memref_squeeze %dma_wait3A_221 : memref<1x1x5x48xi32, #tpu.memory_space<hbm>> -> memref<5x48xi32, #tpu.memory_space<hbm>>
    tpu.wait_dma2 semaphore(%arg13 : memref<!tpu.dma_semaphore, #tpu.memory_space<semaphore_mem>>) src(%dma_wait3A_222 : memref<5x48xi32, #tpu.memory_space<hbm>>) dst(%dma_wait3A_218 : memref<5x48xi32, #tpu.memory_space<vmem>>)
    %dma_wait3A_223 = arith.constant 0 : i32
    %dma_wait3A_224 = arith.constant 2 : i32
    %dma_wait3A_225 = arith.constant 0 : i32
    %dma_wait3A_226 = arith.constant 0 : i32
    %dma_wait3A_227 = tpu.memref_slice %arg8[%dma_wait3A_224, %dma_wait3A_225, %dma_wait3A_226] : memref<3x5x48xi32, #tpu.memory_space<vmem>> -> memref<1x5x48xi32, #tpu.memory_space<vmem>>
    %dma_wait3A_228 = tpu.memref_squeeze %dma_wait3A_227 : memref<1x5x48xi32, #tpu.memory_space<vmem>> -> memref<5x48xi32, #tpu.memory_space<vmem>>
    %dma_wait3A_229 = arith.constant 0 : i32
    %dma_wait3A_230 = arith.constant 0 : i32
    %dma_wait3A_231 = tpu.memref_slice %arg4[%add3A, %dma_wait3A_223, %dma_wait3A_229, %dma_wait3A_230] : memref<32x42x5x48xi32, #tpu.memory_space<hbm>> -> memref<1x1x5x48xi32, #tpu.memory_space<hbm>>
    %dma_wait3A_232 = tpu.memref_squeeze %dma_wait3A_231 : memref<1x1x5x48xi32, #tpu.memory_space<hbm>> -> memref<5x48xi32, #tpu.memory_space<hbm>>
    %dma_wait3A_233 = arith.constant 0 : i32
    %dma_wait3A_234 = arith.constant 0 : i32
    %dma_wait3A_235 = tpu.memref_slice %arg8[%dma_wait3A_224, %dma_wait3A_233, %dma_wait3A_234] : memref<3x5x48xi32, #tpu.memory_space<vmem>> -> memref<1x5x48xi32, #tpu.memory_space<vmem>>
    %dma_wait3A_236 = tpu.memref_squeeze %dma_wait3A_235 : memref<1x5x48xi32, #tpu.memory_space<vmem>> -> memref<5x48xi32, #tpu.memory_space<vmem>>
    %dma_wait3A_237 = arith.constant 0 : i32
    %dma_wait3A_238 = arith.constant 0 : i32
    %dma_wait3A_239 = tpu.memref_slice %arg4[%add3A, %dma_wait3A_223, %dma_wait3A_237, %dma_wait3A_238] : memref<32x42x5x48xi32, #tpu.memory_space<hbm>> -> memref<1x1x5x48xi32, #tpu.memory_space<hbm>>
    %dma_wait3A_240 = tpu.memref_squeeze %dma_wait3A_239 : memref<1x1x5x48xi32, #tpu.memory_space<hbm>> -> memref<5x48xi32, #tpu.memory_space<hbm>>
    tpu.wait_dma2 semaphore(%arg14 : memref<!tpu.dma_semaphore, #tpu.memory_space<semaphore_mem>>) src(%dma_wait3A_240 : memref<5x48xi32, #tpu.memory_space<hbm>>) dst(%dma_wait3A_236 : memref<5x48xi32, #tpu.memory_space<vmem>>)
    %barrier3A_241 = arith.constant 0 : index
    tpu.barrier barrier_id(%barrier3A_241)
    "tpu.region"() ({
      %run_scoped3A_242 = tpu.sem_alloc : memref<!tpu.dma_semaphore, #tpu.memory_space<semaphore_mem>>
      %dma_start3A_243 = arith.constant 0 : i32
      %dma_start3A_244 = tpu.memref_slice %arg6[%arg0, %mul3A_2, %dma_start3A_243] : memref<2x11264x128xf32, #tpu.memory_space<hbm>> -> memref<1x704x128xf32, #tpu.memory_space<hbm>>
      %dma_start3A_245 = tpu.memref_squeeze %dma_start3A_244 : memref<1x704x128xf32, #tpu.memory_space<hbm>> -> memref<704x128xf32, #tpu.memory_space<hbm>>
      %dma_start3A_246 = arith.constant 0 : i32
      %dma_start3A_247 = tpu.memref_slice %arg10[%mul3A_2, %dma_start3A_246] : memref<11264x128xf32, #tpu.memory_space<vmem_shared>> -> memref<704x128xf32, #tpu.memory_space<vmem_shared>>
      tpu.enqueue_dma source(%dma_start3A_247 : memref<704x128xf32, #tpu.memory_space<vmem_shared>>) target(%dma_start3A_245 : memref<704x128xf32, #tpu.memory_space<hbm>>) target_semaphore(%run_scoped3A_242 : memref<!tpu.dma_semaphore, #tpu.memory_space<semaphore_mem>>)
      %dma_wait3A_248 = arith.constant 0 : i32
      %dma_wait3A_249 = tpu.memref_slice %arg6[%arg0, %mul3A_2, %dma_wait3A_248] : memref<2x11264x128xf32, #tpu.memory_space<hbm>> -> memref<1x704x128xf32, #tpu.memory_space<hbm>>
      %dma_wait3A_250 = tpu.memref_squeeze %dma_wait3A_249 : memref<1x704x128xf32, #tpu.memory_space<hbm>> -> memref<704x128xf32, #tpu.memory_space<hbm>>
      %dma_wait3A_251 = arith.constant 0 : i32
      %dma_wait3A_252 = tpu.memref_slice %arg10[%mul3A_2, %dma_wait3A_251] : memref<11264x128xf32, #tpu.memory_space<vmem_shared>> -> memref<704x128xf32, #tpu.memory_space<vmem_shared>>
      tpu.wait_dma2 semaphore(%run_scoped3A_242 : memref<!tpu.dma_semaphore, #tpu.memory_space<semaphore_mem>>) src(%dma_wait3A_252 : memref<704x128xf32, #tpu.memory_space<vmem_shared>>) dst(%dma_wait3A_250 : memref<704x128xf32, #tpu.memory_space<hbm>>)
      tpu.yield
    }) : () -> ()
    return
  }
}

module attributes {stable_mosaic.version = 14 : i64} {
  func.func @body(%arg0: i32, %arg1: memref<2x1000x128xf32, #tpu.memory_space<vmem>>, %arg2: memref<1000x128xf32, #tpu.memory_space<vmem>>) attributes {dimension_semantics = [#tpu.dimension_semantics<arbitrary>], iteration_bounds = array<i64: 10>, scalar_prefetch = 0 : i64, scratch_operands = 0 : i64, tpu.core_type = #tpu.core_type<tc>, window_params = [{transform_indices = @transform_0, window_bounds = array<i64: 2, 1000, 128>}, {transform_indices = @transform_1, window_bounds = array<i64: 1000, 128>}]} {
    %get3A = arith.constant 0 : index
    %get3A_0 = arith.constant 0 : index
    %get3A_1 = arith.constant 0 : index
    %get3A_2 = vector.load %arg1[%get3A, %get3A_0, %get3A_1] : memref<2x1000x128xf32, #tpu.memory_space<vmem>>, vector<1x1000x128xf32>
    %get3A_3 = vector.shape_cast %get3A_2 : vector<1x1000x128xf32> to vector<1000x128xf32>
    %get3A_4 = arith.constant 1 : index
    %get3A_5 = arith.constant 0 : index
    %get3A_6 = arith.constant 0 : index
    %get3A_7 = vector.load %arg1[%get3A_4, %get3A_5, %get3A_6] : memref<2x1000x128xf32, #tpu.memory_space<vmem>>, vector<1x1000x128xf32>
    %get3A_8 = vector.shape_cast %get3A_7 : vector<1x1000x128xf32> to vector<1000x128xf32>
    %add3A = arith.addf %get3A_3, %get3A_8 : vector<1000x128xf32>
    %swap3A = arith.constant 0 : index
    %swap3A_9 = arith.constant 0 : index
    %swap3A_10 = vector.load %arg2[%swap3A, %swap3A_9] : memref<1000x128xf32, #tpu.memory_space<vmem>>, vector<1000x128xf32>
    tpu.vector_store %arg2[%swap3A, %swap3A_9], %add3A {strides = array<i32>} : memref<1000x128xf32, #tpu.memory_space<vmem>>, vector<1000x128xf32>,
    return
  }
  func.func @transform_0(%arg0: i32) -> (i32, i32, i32) {
    %c0_i32 = arith.constant 0 : i32
    %c0_i32_0 = arith.constant 0 : i32
    %c0_i32_1 = arith.constant 0 : i32
    return %c0_i32, %arg0, %c0_i32_0 : i32, i32, i32
  }
  func.func @transform_1(%arg0: i32) -> (i32, i32) {
    %c0_i32 = arith.constant 0 : i32
    %c0_i32_0 = arith.constant 0 : i32
    return %arg0, %c0_i32 : i32, i32
  }
}

</mosaic_0001>

<sc_bundles>
// kernel: kernel.4.cloned.1.call-start
scs
__scs_entry_jumppad:
0x0: {  	(pc) =	sbr.rel $0x88, $3  }
0x1: {  	(tag) =	ssettag $0x0;
	lr =	simm.s32 $0x1  }
0x2: {  	[smem:$0x3F9F] =	sst lr;
	_ =	strace $0xD0000000  }
0x3: {  	_ = 	snop  }
0x4: {  	_ = 	snop  }
0x5: {  	_ = 	snop  }
0x6: {  	_ = 	snop  }
0x7: {  	_ = 	snop  }
__scs_overlays_trampoline_lowered:
0x8: {  	[smem:$0x3FAE] =	sst s0  }
0x9: {  	[smem:$0x3FAF] =	sst s1  }
0xa: {  	[smem:$0x3FB0] =	sst s2  }
0xb: {  	[smem:$0x3FB1] =	sst s3  }
0xc: {  	[smem:$0x3FB2] =	sst s4  }
0xd: {  	[smem:$0x3FB3] =	sst s5  }
0xe: {  	[smem:$0x3FB4] =	sst s6  }
0xf: {  	[smem:$0x3FB5] =	sst s7  }
0x10: {  	[smem:$0x3FB6] =	sst s8  }
0x11: {  	[smem:$0x3FB7] =	sst s9;
	s0 =	simm.s32 @!p0 $0x0  }
0x12: {  	s1 =	sld [smem:$0x3F9D];
	s0 =	simm.s32 @p0 $0x1  }
0x13: {  	[smem:$0x3FB8] =	sst s0;
	s0 =	simm.s32 @!p1 $0x0  }
0x14: {  	s2 =	sld [smem:$0x3F9C];
	s0 =	simm.s32 @p1 $0x1  }
0x15: {  	[smem:$0x3FB9] =	sst s0;
	s0 =	simm.s32 @!p2 $0x0  }
0x16: {  	s3 =	sld [smem:$0x3FDB];
	s0 =	simm.s32 @p2 $0x1  }
0x17: {  	s4 =	simm.s32 $0x1BF5;
	[smem:$0x3FBB] =	sst s0  }
0x18: {  	s0 =	sld [smem:$0x3F9E];
	_ =	swait.ge [sflag:s4], $0x0  }
0x19: {  	s7 =	sld [smem:$0x3F9F]  }
0x1a: {  	s8 =	sadd.s32 $0xFFFFE003, lr  }
0x1b: {  	s9 =	sadd.s32 $0xFFFFFEF7, lr;
	s5 =	simm.s32 $0xFFFFFFFF;
	p2 =	slt.u32 s8, $0xFFFFF086  }
0x1c: {  	p1 =	slt.u32 s9, $0xF7A;
	s5 =	simm.s32 @!p2 $0x0  }
0x1d: {  	s5 =	simm.s32 @p1 $0x1;
	p0 =	seq.s32 s7, s2  }
0x1e: {  	s7 =	smul.u32 @!p0 $0xF7A, s2;
	p2 =	seq.s32 @!p0 s5, $0x0  }
0x1f: {  	s9 =	smul.u32 $0xF7A, s1;
	s8 =	simm.s32 @!p0 $0x1BF5;
	p2 =	por !p2, p0  }
0x20: {  	[sflag:s8] =	ssyncset.s32 @!p0 $0xFFFFF086;
	s6 =	sadd.s32 @!p0 s3, s7;
	s7 =	simm.s32 @!p0 $0x108  }
0x21: {  	s3 =	sadd.s32 s3, s9;
	s6 =	sadd.s32 @!p0 $0x88, s6;
	s7 =	simm.s32 @p2 $0x1082  }
0x22: {  	[simem:s7], [sflag:s8] =	dma.local @!p0 [hbm:s6], $0xF7A  }
0x23: {  	s9 =	sor.u32 $0xD0000000, s2;
	s6 =	simm.s32 $0x108;
	_ =	swait.ge @!p0 [sflag:s8], $0x0  }
0x24: {  	s3 =	sadd.s32 $0x88, s3;
	s6 =	simm.s32 @!p1 $0x1082;
	[sflag:s4] =	ssyncset.s32 $0xFFFFF086  }
0x25: {  	[simem:s6], [sflag:s4] =	dma.local [hbm:s3], $0xF7A  }
0x26: {  	[smem:$0x3F9F] =	sst s1;
	(tag) =	ssettag s2;
	_ =	strace s9  }
0x27: {  	s1 =	sld [smem:$0x3FAF]  }
0x28: {  	s2 =	sld [smem:$0x3FB0]  }
0x29: {  	s4 =	sld [smem:$0x3FB2]  }
0x2a: {  	p0 =	seq.s32 s5, $0x0;
	s5 =	sld [smem:$0x3FB3]  }
0x2b: {  	s6 =	sld [smem:$0x3FB4]  }
0x2c: {  	s7 =	sld [smem:$0x3FB5]  }
0x2d: {  	s3 =	simm.s32 $0x108;
	s8 =	sld [smem:$0x3FB6]  }
0x2e: {  	s3 =	simm.s32 @!p0 $0x1082;
	s9 =	sld [smem:$0x3FB7]  }
0x2f: {  	lr =	sadd.s32 s0, s3;
	s0 =	sld [smem:$0x3FAE]  }
0x30: {  	s3 =	sld [smem:$0x3FB1]  }
0x31: {  	[smem:$0x3FBA] =	sst s10  }
0x32: {  	s10 =	sld [smem:$0x3FB8];
	_ =	sdelay $0x3  }
0x33: {  	p0 =	seq.s32 s10, $0x1;
	s10 =	sld [smem:$0x3FBA];
	_ =	sdelay $0x3  }
0x34: {  	[smem:$0x3FBA] =	sst s10  }
0x35: {  	s10 =	sld [smem:$0x3FB9];
	_ =	sdelay $0x3  }
0x36: {  	p1 =	seq.s32 s10, $0x1;
	s10 =	sld [smem:$0x3FBA];
	_ =	sdelay $0x3  }
0x37: {  	[smem:$0x3FBA] =	sst s10  }
0x38: {  	s10 =	sld [smem:$0x3FBB]  }
0x39: {  	_ = 	snop;
	(pc) =	sbr.ind lr, $3  }
0x3a: {  	_ = 	snop  }
0x3b: {  	_ = 	snop  }
0x3c: {  	p2 =	seq.s32 s10, $0x1;
	s10 =	sld [smem:$0x3FBA]  }
0x3d: {  	_ =	shalt  }
0x3e: {  	_ =	shalt  }
0x3f: {  	_ =	shalt  }
0x40: {  	_ =	shalt  }
0x41: {  	_ =	shalt  }
0x42: {  	_ =	shalt  }
0x43: {  	_ =	shalt  }
0x44: {  	_ =	shalt  }
0x45: {  	_ =	shalt  }
0x46: {  	_ =	shalt  }
0x47: {  	_ =	shalt  }
0x48: {  	_ =	shalt  }
0x49: {  	_ =	shalt  }
0x4a: {  	_ =	shalt  }
0x4b: {  	_ =	shalt  }
0x4c: {  	_ =	shalt  }
0x4d: {  	_ =	shalt  }
0x4e: {  	_ =	shalt  }
0x4f: {  	_ =	shalt  }
0x50: {  	_ =	shalt  }
0x51: {  	_ =	shalt  }
0x52: {  	_ =	shalt  }
0x53: {  	_ =	shalt  }
0x54: {  	_ =	shalt  }
0x55: {  	_ =	shalt  }
0x56: {  	_ =	shalt  }
0x57: {  	_ =	shalt  }
0x58: {  	_ =	shalt  }
0x59: {  	_ =	shalt  }
0x5a: {  	_ =	shalt  }
0x5b: {  	_ =	shalt  }
0x5c: {  	_ =	shalt  }
0x5d: {  	_ =	shalt  }
0x5e: {  	_ =	shalt  }
0x5f: {  	_ =	shalt  }
0x60: {  	_ =	shalt  }
0x61: {  	_ =	shalt  }
0x62: {  	_ =	shalt  }
0x63: {  	_ =	shalt  }
0x64: {  	_ =	shalt  }
0x65: {  	_ =	shalt  }
0x66: {  	_ =	shalt  }
0x67: {  	_ =	shalt  }
0x68: {  	_ =	shalt  }
0x69: {  	_ =	shalt  }
0x6a: {  	_ =	shalt  }
0x6b: {  	_ =	shalt  }
0x6c: {  	_ =	shalt  }
0x6d: {  	_ =	shalt  }
0x6e: {  	_ =	shalt  }
0x6f: {  	_ =	shalt  }
0x70: {  	_ =	shalt  }
0x71: {  	_ =	shalt  }
0x72: {  	_ =	shalt  }
0x73: {  	_ =	shalt  }
0x74: {  	_ =	shalt  }
0x75: {  	_ =	shalt  }
0x76: {  	_ =	shalt  }
0x77: {  	_ =	shalt  }
0x78: {  	_ =	shalt  }
0x79: {  	_ =	shalt  }
0x7a: {  	_ =	shalt  }
0x7b: {  	_ =	shalt  }
0x7c: {  	_ =	shalt  }
0x7d: {  	_ =	shalt  }
0x7e: {  	_ =	shalt  }
0x7f: {  	_ =	shalt  }
0x80: {  	_ =	shalt  }
0x81: {  	_ =	shalt  }
0x82: {  	_ =	shalt  }
0x83: {  	_ =	shalt  }
0x84: {  	_ =	shalt  }
0x85: {  	_ =	shalt  }
0x86: {  	_ =	shalt  }
0x87: {  	_ =	shalt  }
.Lfunc_end0:
.L_simem_size_0:
called_computation_lowered:
.L_overlay_start_0:
0x88: {  	s2 =	sld [smem:$0x3FD9]  }
0x89: {  	s3 =	sld [smem:$0x3FFE];
	_ =	sdelay $0x1  }
0x8a: {  	s1 =	srdreg.scid  }
0x8b: {  	s0 =	sand.u32 $0x1, s1  }
0x8c: {  	s17 =	sshll.u32 s0, $0xA;
	s2 =	sadd.s32 s3, s2  }
0x8d: {  	s2 =	sadd.s32 s2, s17  }
0x8e: {  	[smem:$0x3FC6] =	sst s2  }
0x8f: {  	_ = 	snop  }
0x90: {  	s2 =	sld [smem:$0x3FC9]  }
0x91: {  	s18 =	sld [smem:$0x3FD0];
	(tm) =	ssettm $0x1  }
0x92: {  	s4 =	sld [smem:$0x3FFB];
	_ =	sdelay $0x3  }
0x93: {  	_ =	strace s4  }
0x94: {  	s4 =	sld [smem:$0x3FFC];
	_ =	sdelay $0x3  }
0x95: {  	_ =	strace s4  }
0x96: {  	s4 =	sld [smem:$0x3FFD];
	_ =	sdelay $0x3  }
0x97: {  	_ =	strace s4  }
0x98: {  	_ =	strace $0x8FFFFFFF  }
0x99: {  	s19 =	sld [smem:$0x3FDB];
	_ =	sdelay $0x1  }
0x9a: {  	s5 =	simm.s32 $_scs_section_size  }
0x9b: {  	s6 =	simm.s32 $_size__tile_overlayer_lowered;
	s7 =	simm.s32 $_tile_overlayer_lowered  }
0x9c: {  	s22 =	simm.s32 $0x1BFF;
	s21 =	sshll.u32 s7, $0x1;
	s4 =	sadd.s32 s5, s19  }
0x9d: {  	s8 =	simm.s32 $0x0;
	s20 =	sshll.u32 s6, $0x1;
	s6 =	sadd.s32 s21, s4  }
0x9e: {  	[timem:s8], [sflag:s22] =	dma.local [hbm:s6], s20  }
0x9f: {  	_ =	swait.ge [sflag:s22], s20  }
0xa0: {  	s5 =	ssub.s32 $0x0, s20;
	[sflag:s22] =	ssyncset.done $0x0  }
0xa1: {  	[sflag:s22] =	ssyncadd.s32 s5;
	_ =	sdelay $0x1  }
0xa2: {  	s23 =	simm.s32 $0x1B8B  }
0xa3: {  	_ =	swait.ge [sflag:s23], $0x1  }
0xa4: {  	[sflag:s23] =	ssyncset.done $0x0  }
0xa5: {  	s25 =	simm.s32 $0x1B8E;
	s24 =	sld [smem:$0x3FFE];
	[sflag:s23] =	ssyncadd.s32 $0xFFFFFFFF  }
0xa6: {  	s26 =	simm.s32 $execute0_lowered;
	[smem:$0x3FD2] =	sst s25  }
0xa7: {  	s6 =	sshll.u32 s26, $0x1;
	_ =	strace $0x80000046;
	[dreg:$0x1] =	wrdreg $0xFFFFFFFF  }
0xa8: {  	s28 =	simm.s32 $_size_execute0_lowered;
	s4 =	sadd.s32 s4, s6;
	[dreg:$0x0] =	wrdreg $0x0  }
0xa9: {  	s6 =	sshll.u32 s28, $0x1;
	[dreg:$0x2] =	wrdreg s4  }
0xaa: {  	[dreg:$0x3] =	wrdreg s6  }
0xab: {  	[dreg:$0x4] =	wrdreg $0xC0  }
0xac: {  	_ =	task [dreg:s8], $0x5FFFF  }
0xad: {  	[dreg:$0x1] =	wrdreg $0xFFFFFFFF  }
0xae: {  	[dreg:$0x0] =	wrdreg $0x60  }
0xaf: {  	[dreg:$0x2] =	wrdreg s2  }
0xb0: {  	[dreg:$0x3] =	wrdreg s24  }
0xb1: {  	[dreg:$0x4] =	wrdreg s18  }
0xb2: {  	[dreg:$0x5] =	wrdreg $0x90000  }
0xb3: {  	[dreg:$0x6] =	wrdreg $0x9  }
0xb4: {  	_ =	task.clear_ibuf [dreg:s8], $0x7FFFF;
	_ =	strace $0x90000046  }
0xb5: {  	s29 =	simm.s32 $0x9;
	_ =	strace $0x80000048  }
0xb6: {  	_ =	swait.ge [sflag:s29], $0x1  }
0xb7: {  	[sflag:s29] =	ssyncadd.s32 $0xFFFFFFFF  }
0xb8: {  	_ =	strace $0x90000048  }
0xb9: {  	_ =	sfence  }
0xba: {  	s30 =	sld [smem:$0x0];
	_ =	sdelay $0x2  }
0xbb: {  	s31 =	sshll.u32 s1, $0xD;
	s1 =	sshrl.u32 s1, $0x2  }
0xbc: {  	s3 =	sand.u32 $0x4000, s31;
	s1 =	sadd.s32 s1, s30  }
0xbd: {  	s0 =	sor.u32 s3, s0;
	s1 =	sshll.u32 s1, $0x11  }
0xbe: {  	s0 =	sor.u32 s1, s0  }
0xbf: {  	s0 =	sadd.s32 $0x8F2B, s0  }
0xc0: {  	[sflag:s0] =	ssyncadd.remote.s32 $0x1  }
0xc1: {  	_ =	sfence.sel $0xFFFF  }
0xc2: {  	[dreg:$0x0] =	wrdreg $0xFFFFFFFF;
	(pc) =	sbr.abs _section_cstart, $3  }
0xc3: {  	[dreg:$0x1] =	wrdreg $0xFFFFFFFF  }
0xc4: {  	_ =	task.clear_ibuf [dreg:s8], $0x2FFFF;
	_ =	strace $0x9FFFFFFF  }
0xc5: {  	(tm) =	ssettm $0x7FFFFFFF  }
tec
execute0_lowered:
.L_overlay_start_1:
0x0: {  	(tag) =	ssettag $0x1  }
0x1: {  	s0 =	rddreg [dreg:$0x0]  }
0x2: {  	s12 =	rddreg [dreg:$0x1];
	s2 =	srdreg.scid  }
0x3: {  	s5 =	rddreg [dreg:$0x3];
	s1 =	stileid.u32  }
0x4: {  	s6 =	simm.s32 $0x0;
	s10 =	simm.s32 $0xD;
	s28 =	simm.s32 $0x7800  }
0x5: {  	s31 =	simm.s32 $0x1;
	s29 =	simm.s32 $0x8;
	s30 =	simm.s32 $0x9  }
0x6: {  	s11 =	simm.s32 $0x0;
	s2 =	sand.u32 $0x1, s2;
	s4 =	smul.u32 $0x16000, s1  }
0x7: {  	[smem:$0x7FF] =	sst s6;
	s7 =	sshll.u32 s1, $0x1;
	s9 =	smul.u32 $0x58000, s1  }
0x8: {  	s8 =	sadd.s32 $0x2A000, s12;
	s3 =	smul.u32 $0x160000, s2;
	s16 =	sor.u32 s2, s7  }
0x9: {  	_ =	strace $0x80000047;
	s2 =	ssub.s32 $0x2, s2;
	s7 =	smul.u32 $0xA800, s16  }
0xa: {  	s17 =	sshrl.u32 s2, $0x1;
	s23 =	sshrl.u32 s9, $0x2;
	s9 =	simm.s32 $0xA  }
0xb: {  	s3 =	sadd.s32 s4, s3;
	s2 =	ssub.s32 s2, s17;
	s24 =	sadd.s32 s23, s5  }
0xc: {  	s23 =	simm.s32 $0x4800;
	s17 =	simm.s32 $0x4;
	s3 =	sshrl.u32 s3, $0x3  }
0xd: {  	s18 =	sshrl.u32 s7, $0x3;
	[dreg:$0x9] =	wrdreg s24;
	s26 =	smax.u32 s2, $0x1  }
0xe: {  	s2 =	simm.s32 $0x2;
	s24 =	simm.s32 $0x6;
	s3 =	sadd.s32 s3, s12  }
0xf: {  	s19 =	sadd.s32 s12, s18;
	s20 =	sadd.s32 s8, s18;
	[dreg:$0xb] =	wrdreg s26  }
0x10: {  	s4 =	sor.u32 $0x80, s18;
	s18 =	simm.s32 $0x30;
	[dreg:$0x5] =	wrdreg s19  }
0x11: {  	s26 =	simm.s32 $0x7;
	[dreg:$0x6] =	wrdreg s20;
	s21 =	sadd.s32 s12, s4  }
0x12: {  	s22 =	sadd.s32 s8, s4;
	s25 =	sadd.s32 $0x54000, s3;
	[dreg:$0x7] =	wrdreg s21  }
0x13: {  	s19 =	simm.s32 $0x1800;
	s4 =	simm.s32 $0x3;
	[dreg:$0x8] =	wrdreg s22  }
0x14: {  	s20 =	simm.s32 $0x5;
	s3 =	simm.s32 $0xC;
	[dreg:$0xa] =	wrdreg s25  }
0x15: {  	s21 =	simm.s32 $0x3000;
	s25 =	simm.s32 $0x6000;
	s22 =	simm.s32 $0xB  }
.LBB2_1:
0x16: {  	[dreg:$0xc] =	wrdreg s11  }
0x17: {  	s1 =	rddreg [dreg:$0x5]  }
0x18: {  	[tilespmem:s6], [sflag:$0xD] =	stream.linear.gather [hbm4b:s1+s6], $0x280, $0x38;
	[tilespmem:$0x1F000] =	vst v63  }
0x19: {  	_ =	swait.ge [sflag:s10], $0x280  }
0x1a: {  	[sflag:s10] =	ssyncset.done $0x0  }
0x1b: {  	s13 =	simm.s32 $0xC00;
	s11 =	rddreg [dreg:$0x6];
	[sflag:s10] =	ssyncadd.s32 $0xFFFFFD80  }
0x1c: {  	[tilespmem:s13], [sflag:$0xD] =	stream.linear.gather [hbm4b:s11+s6], $0x280, $0x38;
	[tilespmem:$0x1F000] =	vst v63  }
0x1d: {  	_ =	swait.ge [sflag:s10], $0x280  }
0x1e: {  	[sflag:s10] =	ssyncset.done $0x0  }
0x1f: {  	[sflag:s10] =	ssyncadd.s32 $0xFFFFFD80  }
0x20: {  	[tilespmem:s19], [sflag:$0x1] =	stream.indirect.gather [hbm4b:s0+s18], $0x80, s6, s18, $0xb8;
	[tilespmem:$0x1F000] =	vst v63  }
0x21: {  	s14 =	simm.s32 $0x80  }
0x22: {  	[tilespmem:s21], [sflag:$0x2] =	stream.indirect.gather [hbm4b:s0+s18], $0x80, s14, s18, $0xb8;
	[tilespmem:$0x1F000] =	vst v63  }
0x23: {  	s15 =	simm.s32 $0x100  }
0x24: {  	[tilespmem:s23], [sflag:$0x3] =	stream.indirect.gather [hbm4b:s0+s18], $0x80, s15, s18, $0xb8;
	[tilespmem:$0x1F000] =	vst v63  }
0x25: {  	s16 =	simm.s32 $0x180  }
0x26: {  	[tilespmem:s25], [sflag:$0x4] =	stream.indirect.gather [hbm4b:s0+s18], $0x80, s16, s18, $0xb8;
	[tilespmem:$0x1F000] =	vst v63  }
0x27: {  	s11 =	simm.s32 $0x200  }
0x28: {  	[tilespmem:s28], [sflag:$0x5] =	stream.indirect.gather [hbm4b:s0+s18], $0x80, s11, s18, $0xb8;
	[tilespmem:$0x1F000] =	vst v63  }
0x29: {  	s13 =	rddreg [dreg:$0x7];
	s14 =	simm.s32 $0x400  }
0x2a: {  	[tilespmem:s14], [sflag:$0xB] =	stream.linear.gather [hbm4b:s13+s6], $0x280, $0x38;
	[tilespmem:$0x1F000] =	vst v63  }
0x2b: {  	s15 =	rddreg [dreg:$0x8];
	s16 =	simm.s32 $0x1000;
	s13 =	stileid.u32  }
0x2c: {  	[tilespmem:s16], [sflag:$0xC] =	stream.linear.gather [hbm4b:s15+s6], $0x280, $0x38;
	[tilespmem:$0x1F000] =	vst v63  }
0x2d: {  	s14 =	sshll.u32 s13, $0x6;
	s15 =	rddreg [dreg:$0x9]  }
0x2e: {  	s13 =	sor.u32 $0x1C0D, s14;
	s16 =	rddreg [dreg:$0x2]  }
0x2f: {  	s14 =	sshrl.u32 s15, $0x3;
	[dreg:$0xd] =	wrdreg s13  }
0x30: {  	s11 =	smul.u32 $0xAB, s2;
	[dreg:$0xe] =	wrdreg s14  }
0x31: {  	[spmem:s14], [sflag:s13] =	dma.local [hbm:s16], $0x2C00  }
0x32: {  	s14 =	sshrl.u32 s11, $0x9  }
0x33: {  	s13 =	sand.u32 $0x7F, s14  }
0x34: {  	s15 =	smin.u32 s2, $0x29;
	s13 =	smul.u32 $0x3, s13  }
0x35: {  	s16 =	sadd.s32 $0xFFFFFEAA, s11;
	_ =	swait.ge [sflag:s10], $0x2C00;
	s14 =	sshll.u32 s15, $0xA  }
0x36: {  	[sflag:s10] =	ssyncset.done $0x0;
	s14 =	sadd.s32 s7, s14;
	s13 =	ssub.s32 $0x2, s13  }
0x37: {  	[sflag:s10] =	ssyncadd.s32 $0xFFFFD400;
	s14 =	sshrl.u32 s14, $0x3;
	s13 =	sand.u32 $0xFF, s13  }
0x38: {  	[bflag:$0x0] =	sbarrier.arrive $0xFFFF;
	s15 =	sadd.s32 s12, s14;
	s13 =	sshll.u32 s13, $0xA  }
0x39: {  	[tilespmem:s13], [sflag:$0xB] =	stream.linear.gather [hbm4b:s15+s6], $0x280, $0x38;
	[tilespmem:$0x1F000] =	vst v63  }
0x3a: {  	s15 =	sshrl.u32 s16, $0x9  }
0x3b: {  	s15 =	sand.u32 $0x7F, s15  }
0x3c: {  	s14 =	sadd.s32 s8, s14;
	s13 =	sadd.s32 $0xC00, s13;
	s15 =	smul.u32 $0x3, s15  }
0x3d: {  	[tilespmem:s13], [sflag:$0xC] =	stream.linear.gather [hbm4b:s14+s6], $0x280, $0x38;
	[tilespmem:$0x1F000] =	vst v63  }
0x3e: {  	s1 =	ssub.s32 $0x2, s15  }
0x3f: {  	s13 =	sadd.s32 $0xFFFFFFFE, s1  }
0x40: {  	_ =	swait.ge [sflag:s31], $0x1800;
	s13 =	sand.u32 $0xFF, s13  }
0x41: {  	[sflag:s31] =	ssyncset.done $0x0;
	s13 =	sshll.u32 s13, $0xA  }
0x42: {  	[sflag:s31] =	ssyncadd.s32 $0xFFFFE800;
	s6 =	sadd.s32 $0xC00, s13  }
0x43: {  	[spmem:s5] =	stream.indirect.scatter.add.f32 [tilespmem:s19], [sflag:$0x6], $0x80, s6, s18, $0xb8;
	[tilespmem:$0x1F000] =	vst v63  }
0x44: {  	_ =	swait.ge [sflag:s2], $0x1800  }
0x45: {  	[sflag:s2] =	ssyncset.done $0x0  }
0x46: {  	s10 =	sadd.s32 $0xC80, s13;
	[sflag:s2] =	ssyncadd.s32 $0xFFFFE800  }
0x47: {  	[spmem:s5] =	stream.indirect.scatter.add.f32 [tilespmem:s21], [sflag:$0x7], $0x80, s10, s18, $0xb8;
	[tilespmem:$0x1F000] =	vst v63  }
0x48: {  	_ =	swait.ge [sflag:s4], $0x1800  }
0x49: {  	[sflag:s4] =	ssyncset.done $0x0  }
0x4a: {  	s15 =	sadd.s32 $0xD00, s13;
	[sflag:s4] =	ssyncadd.s32 $0xFFFFE800  }
0x4b: {  	[spmem:s5] =	stream.indirect.scatter.add.f32 [tilespmem:s23], [sflag:$0x8], $0x80, s15, s18, $0xb8;
	[tilespmem:$0x1F000] =	vst v63  }
0x4c: {  	s11 =	sadd.s32 $0xFFFFFF55, s11;
	_ =	swait.ge [sflag:s17], $0x1800  }
0x4d: {  	s11 =	sshrl.u32 s11, $0x9;
	[sflag:s17] =	ssyncset.done $0x0  }
0x4e: {  	s11 =	sand.u32 $0x7F, s11;
	s16 =	sadd.s32 $0xD80, s13;
	[sflag:s17] =	ssyncadd.s32 $0xFFFFE800  }
0x4f: {  	[spmem:s5] =	stream.indirect.scatter.add.f32 [tilespmem:s25], [sflag:$0x9], $0x80, s16, s18, $0xb8;
	[tilespmem:$0x1F000] =	vst v63  }
0x50: {  	s11 =	smul.u32 $0x3, s11;
	_ =	swait.ge [sflag:s20], $0x1800  }
0x51: {  	[sflag:s20] =	ssyncset.done $0x0  }
0x52: {  	s11 =	sxor.u32 $0xFFFFFFFF, s11;
	s13 =	sadd.s32 $0xE00, s13;
	[sflag:s20] =	ssyncadd.s32 $0xFFFFE800  }
0x53: {  	[spmem:s5] =	stream.indirect.scatter.add.f32 [tilespmem:s28], [sflag:$0xA], $0x80, s13, s18, $0xb8;
	[tilespmem:$0x1F000] =	vst v63  }
0x54: {  	s14 =	sadd.s32 $0x2, s11;
	s13 =	simm.s32 $0x3  }
.LBB2_2:
0x55: {  	p0 =	sne.s32 s13, $0x2B;
	_ =	swait.ge [sflag:s22], $0x280  }
0x56: {  	s15 =	smov.u32 s13;
	s13 =	sadd.s32 $0x1, s13;
	s6 =	smov.u32 s12  }
0x57: {  	s11 =	sand.u32 $0xFF, s14;
	s12 =	smul.u32 $0xAB, s15;
	[sflag:s22] =	ssyncset.done $0x0  }
0x58: {  	s11 =	sshll.u32 s11, $0xA;
	[sflag:s22] =	ssyncadd.s32 $0xFFFFFD80  }
0x59: {  	s14 =	sadd.s32 $0xFFFFFEAA, s12;
	s16 =	sshrl.u32 s12, $0x9;
	_ =	swait.ge [sflag:s3], $0x280  }
0x5a: {  	s12 =	sadd.s32 $0xFFFFFF55, s12;
	s14 =	sshrl.u32 s14, $0x9;
	[sflag:s3] =	ssyncset.done $0x0  }
0x5b: {  	s12 =	sshrl.u32 s12, $0x9;
	s16 =	sand.u32 $0x7F, s16;
	[sflag:s3] =	ssyncadd.s32 $0xFFFFFD80  }
0x5c: {  	s10 =	smin.u32 s15, $0x29;
	s16 =	smul.u32 $0x3, s16;
	_ =	swait.ge [sflag:s24], $0x1800  }
0x5d: {  	s10 =	sshll.u32 s10, $0xA;
	s14 =	sand.u32 $0x7F, s14;
	[sflag:s24] =	ssyncset.done $0x0  }
0x5e: {  	s10 =	sadd.s32 s7, s10;
	s16 =	ssub.s32 s15, s16;
	[sflag:s24] =	ssyncadd.s32 $0xFFFFE800  }
0x5f: {  	[tilespmem:s19], [sflag:$0x1] =	stream.indirect.gather [hbm4b:s0+s18], $0x80, s11, s18, $0xb8;
	[tilespmem:$0x1F000] =	vst v63  }
0x60: {  	s12 =	sand.u32 $0x7F, s12;
	s14 =	smul.u32 $0x3, s14;
	_ =	swait.ge [sflag:s26], $0x1800  }
0x61: {  	s1 =	sor.u32 $0x80, s11;
	s12 =	smul.u32 $0x3, s12;
	[sflag:s26] =	ssyncset.done $0x0  }
0x62: {  	s10 =	sshrl.u32 s10, $0x3;
	s14 =	ssub.s32 s15, s14;
	[sflag:s26] =	ssyncadd.s32 $0xFFFFE800  }
0x63: {  	s12 =	sxor.u32 $0xFFFFFFFF, s12;
	s14 =	sadd.s32 $0xFFFFFFFE, s14  }
0x64: {  	[tilespmem:s21], [sflag:$0x2] =	stream.indirect.gather [hbm4b:s0+s18], $0x80, s1, s18, $0xb8;
	[tilespmem:$0x1F000] =	vst v63  }
0x65: {  	s1 =	sand.u32 $0xFF, s14;
	s14 =	sadd.s32 s15, s12;
	_ =	swait.ge [sflag:s29], $0x1800  }
0x66: {  	[sflag:s29] =	ssyncset.done $0x0  }
0x67: {  	s15 =	sshll.u32 s1, $0xA;
	s1 =	sor.u32 $0x100, s11;
	[sflag:s29] =	ssyncadd.s32 $0xFFFFE800  }
0x68: {  	[tilespmem:s23], [sflag:$0x3] =	stream.indirect.gather [hbm4b:s0+s18], $0x80, s1, s18, $0xb8;
	[tilespmem:$0x1F000] =	vst v63  }
0x69: {  	_ =	swait.ge [sflag:s30], $0x1800  }
0x6a: {  	s12 =	sor.u32 $0x180, s11;
	s1 =	sand.u32 $0xFF, s16;
	[sflag:s30] =	ssyncset.done $0x0  }
0x6b: {  	s1 =	sshll.u32 s1, $0xA;
	[sflag:s30] =	ssyncadd.s32 $0xFFFFE800  }
0x6c: {  	[tilespmem:s25], [sflag:$0x4] =	stream.indirect.gather [hbm4b:s0+s18], $0x80, s12, s18, $0xb8;
	[tilespmem:$0x1F000] =	vst v63  }
0x6d: {  	s12 =	smov.u32 s6;
	s6 =	simm.s32 $0x0  }
0x6e: {  	_ =	swait.ge [sflag:s9], $0x1800  }
0x6f: {  	s11 =	sor.u32 $0x200, s11;
	[sflag:s9] =	ssyncset.done $0x0  }
0x70: {  	[sflag:s9] =	ssyncadd.s32 $0xFFFFE800  }
0x71: {  	[tilespmem:s28], [sflag:$0x5] =	stream.indirect.gather [hbm4b:s0+s18], $0x80, s11, s18, $0xb8;
	[tilespmem:$0x1F000] =	vst v63  }
0x72: {  	s11 =	sadd.s32 s12, s10  }
0x73: {  	[tilespmem:s1], [sflag:$0xB] =	stream.linear.gather [hbm4b:s11+s6], $0x280, $0x38;
	[tilespmem:$0x1F000] =	vst v63  }
0x74: {  	s10 =	sadd.s32 s8, s10;
	s1 =	sadd.s32 $0xC00, s1  }
0x75: {  	[tilespmem:s1], [sflag:$0xC] =	stream.linear.gather [hbm4b:s10+s6], $0x280, $0x38;
	[tilespmem:$0x1F000] =	vst v63  }
0x76: {  	_ =	swait.ge [sflag:s31], $0x1800  }
0x77: {  	s1 =	sadd.s32 $0xC00, s15;
	[sflag:s31] =	ssyncset.done $0x0  }
0x78: {  	[sflag:s31] =	ssyncadd.s32 $0xFFFFE800  }
0x79: {  	[spmem:s5] =	stream.indirect.scatter.add.f32 [tilespmem:s19], [sflag:$0x6], $0x80, s1, s18, $0xb8;
	[tilespmem:$0x1F000] =	vst v63  }
0x7a: {  	_ =	swait.ge [sflag:s2], $0x1800  }
0x7b: {  	s1 =	sadd.s32 $0xC80, s15;
	[sflag:s2] =	ssyncset.done $0x0  }
0x7c: {  	[sflag:s2] =	ssyncadd.s32 $0xFFFFE800  }
0x7d: {  	[spmem:s5] =	stream.indirect.scatter.add.f32 [tilespmem:s21], [sflag:$0x7], $0x80, s1, s18, $0xb8;
	[tilespmem:$0x1F000] =	vst v63  }
0x7e: {  	_ =	swait.ge [sflag:s4], $0x1800  }
0x7f: {  	s1 =	sadd.s32 $0xD00, s15;
	[sflag:s4] =	ssyncset.done $0x0  }
0x80: {  	[sflag:s4] =	ssyncadd.s32 $0xFFFFE800  }
0x81: {  	[spmem:s5] =	stream.indirect.scatter.add.f32 [tilespmem:s23], [sflag:$0x8], $0x80, s1, s18, $0xb8;
	[tilespmem:$0x1F000] =	vst v63  }
0x82: {  	_ =	swait.ge [sflag:s17], $0x1800  }
0x83: {  	s1 =	sadd.s32 $0xD80, s15;
	[sflag:s17] =	ssyncset.done $0x0  }
0x84: {  	[sflag:s17] =	ssyncadd.s32 $0xFFFFE800  }
0x85: {  	[spmem:s5] =	stream.indirect.scatter.add.f32 [tilespmem:s25], [sflag:$0x9], $0x80, s1, s18, $0xb8;
	[tilespmem:$0x1F000] =	vst v63  }
.Ltmp0:
0x86: {  	_ = 	snop;
	(pc) =	sbr.rel @p0 .LBB2_2-.Ltmp0, $4  }
0x87: {  	_ =	swait.ge [sflag:s20], $0x1800  }
0x88: {  	s1 =	sadd.s32 $0xE00, s15;
	[sflag:s20] =	ssyncset.done $0x0  }
0x89: {  	[sflag:s20] =	ssyncadd.s32 $0xFFFFE800  }
0x8a: {  	[spmem:s5] =	stream.indirect.scatter.add.f32 [tilespmem:s28], [sflag:$0xA], $0x80, s1, s18, $0xb8;
	[tilespmem:$0x1F000] =	vst v63  }
0x8b: {  	_ =	swait.ge [sflag:s22], $0x280  }
0x8c: {  	[sflag:s22] =	ssyncset.done $0x0  }
0x8d: {  	[sflag:s22] =	ssyncadd.s32 $0xFFFFFD80  }
0x8e: {  	_ =	swait.ge [sflag:s3], $0x280  }
0x8f: {  	[sflag:s3] =	ssyncset.done $0x0  }
0x90: {  	[sflag:s3] =	ssyncadd.s32 $0xFFFFFD80  }
0x91: {  	_ =	swait.ge [sflag:s24], $0x1800  }
0x92: {  	s1 =	sand.u32 $0xFF, s14;
	[sflag:s24] =	ssyncset.done $0x0  }
0x93: {  	s1 =	sshll.u32 s1, $0xA;
	[sflag:s24] =	ssyncadd.s32 $0xFFFFE800  }
0x94: {  	[tilespmem:s19], [sflag:$0x1] =	stream.indirect.gather [hbm4b:s0+s18], $0x80, s1, s18, $0xb8;
	[tilespmem:$0x1F000] =	vst v63  }
0x95: {  	_ =	swait.ge [sflag:s26], $0x1800  }
0x96: {  	[sflag:s26] =	ssyncset.done $0x0  }
0x97: {  	s10 =	sor.u32 $0x80, s1;
	[sflag:s26] =	ssyncadd.s32 $0xFFFFE800  }
0x98: {  	[tilespmem:s21], [sflag:$0x2] =	stream.indirect.gather [hbm4b:s0+s18], $0x80, s10, s18, $0xb8;
	[tilespmem:$0x1F000] =	vst v63  }
0x99: {  	_ =	swait.ge [sflag:s29], $0x1800  }
0x9a: {  	[sflag:s29] =	ssyncset.done $0x0  }
0x9b: {  	s16 =	sor.u32 $0x100, s1;
	[sflag:s29] =	ssyncadd.s32 $0xFFFFE800  }
0x9c: {  	[tilespmem:s23], [sflag:$0x3] =	stream.indirect.gather [hbm4b:s0+s18], $0x80, s16, s18, $0xb8;
	[tilespmem:$0x1F000] =	vst v63  }
0x9d: {  	_ =	swait.ge [sflag:s30], $0x1800  }
0x9e: {  	[sflag:s30] =	ssyncset.done $0x0  }
0x9f: {  	s11 =	sor.u32 $0x180, s1;
	[sflag:s30] =	ssyncadd.s32 $0xFFFFE800  }
0xa0: {  	[tilespmem:s25], [sflag:$0x4] =	stream.indirect.gather [hbm4b:s0+s18], $0x80, s11, s18, $0xb8;
	[tilespmem:$0x1F000] =	vst v63  }
0xa1: {  	_ =	swait.ge [sflag:s9], $0x1800  }
0xa2: {  	[sflag:s9] =	ssyncset.done $0x0  }
0xa3: {  	s1 =	sor.u32 $0x200, s1;
	[sflag:s9] =	ssyncadd.s32 $0xFFFFE800  }
0xa4: {  	[tilespmem:s28], [sflag:$0x5] =	stream.indirect.gather [hbm4b:s0+s18], $0x80, s1, s18, $0xb8;
	[tilespmem:$0x1F000] =	vst v63  }
0xa5: {  	_ =	swait.ge [sflag:s31], $0x1800  }
0xa6: {  	[sflag:s31] =	ssyncset.done $0x0  }
0xa7: {  	[sflag:s31] =	ssyncadd.s32 $0xFFFFE800  }
0xa8: {  	_ =	swait.ge [sflag:s2], $0x1800  }
0xa9: {  	[sflag:s2] =	ssyncset.done $0x0  }
0xaa: {  	[sflag:s2] =	ssyncadd.s32 $0xFFFFE800  }
0xab: {  	_ =	swait.ge [sflag:s4], $0x1800  }
0xac: {  	[sflag:s4] =	ssyncset.done $0x0  }
0xad: {  	[sflag:s4] =	ssyncadd.s32 $0xFFFFE800  }
0xae: {  	_ =	swait.ge [sflag:s17], $0x1800  }
0xaf: {  	[sflag:s17] =	ssyncset.done $0x0  }
0xb0: {  	[sflag:s17] =	ssyncadd.s32 $0xFFFFE800  }
0xb1: {  	_ =	swait.ge [sflag:s20], $0x1800  }
0xb2: {  	[sflag:s20] =	ssyncset.done $0x0  }
0xb3: {  	[sflag:s20] =	ssyncadd.s32 $0xFFFFE800  }
0xb4: {  	_ =	swait.ge [sflag:s22], $0x280  }
0xb5: {  	[sflag:s22] =	ssyncset.done $0x0  }
0xb6: {  	[sflag:s22] =	ssyncadd.s32 $0xFFFFFD80  }
0xb7: {  	_ =	swait.ge [sflag:s3], $0x280  }
0xb8: {  	[sflag:s3] =	ssyncset.done $0x0  }
0xb9: {  	[sflag:s3] =	ssyncadd.s32 $0xFFFFFD80  }
0xba: {  	[bflag:$0x0] =	sbarrier.arrive $0xFFFF  }
0xbb: {  	s13 =	rddreg [dreg:$0xa]  }
0xbc: {  	s14 =	rddreg [dreg:$0xd]  }
0xbd: {  	s10 =	simm.s32 $0xD;
	s11 =	rddreg [dreg:$0xe]  }
0xbe: {  	[hbm:s13], [sflag:s14] =	dma.local [spmem:s11], $0x2C00  }
0xbf: {  	_ =	swait.ge [sflag:s10], $0x2C00  }
0xc0: {  	s15 =	rddreg [dreg:$0xc]  }
0xc1: {  	s16 =	rddreg [dreg:$0xb];
	s11 =	sadd.s32 $0x1, s15  }
0xc2: {  	p0 =	sne.s32 s11, s16  }
.Ltmp1:
0xc3: {  	_ = 	snop;
	(pc) =	sbr.rel @p0 .LBB2_1-.Ltmp1, $3  }
0xc4: {  	_ =	sdelay $0x1  }
0xc5: {  	[sflag:s10] =	ssyncset.done $0x0  }
0xc6: {  	[sflag:s10] =	ssyncadd.s32 $0xFFFFD400  }
0xc7: {  	_ =	sfence.sel $0x180000  }
0xc8: {  	[bflag:$0x0] =	sbarrier.arrive $0xFFFF  }
0xc9: {  	_ =	strace $0x90000047  }
0xca: {  	s0 =	stileid.u32;
	[bflag:$0x2] =	sbarrier.arrive $0xFFFF  }
0xcb: {  	p0 =	sne.s32 s0, $0x0;
	s0 =	rddreg [dreg:$0x4]  }
0xcc: {  	s0 =	sadd.s32 @!p0 $0x100000, s0  }
0xcd: {  	[sflag:s0] =	ssyncadd.tile.s32 @!p0 $0x1;
	_ =	shalt  }
.Lfunc_end2:
_tile_overlayer_lowered:
.L_overlay_start_2:
0xce: {  	(tag) =	ssettag $0x2  }
0xcf: {  	s0 =	rddreg [dreg:$0x0];
	s2 =	stileid.u32  }
0xd0: {  	s1 =	rddreg [dreg:$0x1];
	p0 =	sne.s32 s2, $0x0  }
0xd1: {  	s3 =	rddreg [dreg:$0x2];
	[bflag:$0x3] =	sbarrier.arrive $0xFFFF;
	s2 =	simm.s32 @!p0 $0x1C0D  }
0xd2: {  	[timem:s3], [sflag:s2] =	dma.local @!p0 [hbm:s0], s1  }
0xd3: {  	s0 =	simm.s32 @!p0 $0xD  }
0xd4: {  	_ =	swait.ge @!p0 [sflag:s0], s1  }
0xd5: {  	s1 =	ssub.s32 @!p0 $0x0, s1;
	[sflag:s0] =	ssyncset.done @!p0 $0x0  }
0xd6: {  	[sflag:s0] =	ssyncadd.s32 @!p0 s1  }
0xd7: {  	[bflag:$0x3] =	sbarrier.arrive $0xFFFF  }
0xd8: {  	_ =	shalt  }

</sc_bundles>
